<compile_context>
chip_gen: v7x
topology: tpu7x:2x2x1
jax: 0.10.2.dev20260603
libtpu: 0.0.44.dev20260713+nightly
codegen_flags: <defaults>
</compile_context>

<pallas_src>
import functools

import jax
import jax.numpy as jnp
from jax import lax
from jax.experimental import pallas as pl
from jax.experimental.pallas import tpu as pltpu
from jax.experimental.pallas import tpu_sc as plsc

N_ROWS = 16384
D = 1024
L = 16
NC = 2
NS = 16
NW = NC * NS

ROWS_SC = 1024
ROWS_TC = N_ROWS - ROWS_SC
ROWS_PER_W = ROWS_SC // NW
CHUNK = 16
NCHUNK = ROWS_PER_W // CHUNK
JSLABS = D // L

BLK = 1024
NBLK = ROWS_TC // BLK
NBUF = 4


def _scores_body(a_hbm, w_hbm, out_hbm, w_v, buf_v, sc_v, sem):
    wid = lax.axis_index("s") * NC + lax.axis_index("c")
    base = ROWS_TC + wid * ROWS_PER_W
    pltpu.sync_copy(w_hbm, w_v)

    def chunk_body(c, _):
        pltpu.sync_copy(a_hbm.at[pl.ds(base + c * CHUNK, CHUNK)], buf_v)

        def jbody(j, accs):
            wj = w_v[pl.ds(j * L, L)]
            return tuple(
                accs[r] + buf_v[r, pl.ds(j * L, L)] * wj for r in range(CHUNK)
            )

        accs = lax.fori_loop(
            0, JSLABS, jbody,
            tuple(jnp.zeros((L,), jnp.float32) for _ in range(CHUNK)),
        )
        riota = lax.broadcasted_iota(jnp.int32, (L,), 0)
        svec = jnp.zeros((L,), jnp.float32)
        for r in range(L):
            svec = jnp.where(riota == r, jnp.sum(accs[r]), svec)
        sc_v[pl.ds(c * CHUNK, L)] = svec
        return 0

    lax.fori_loop(0, NCHUNK, chunk_body, 0)
    pltpu.sync_copy(sc_v, out_hbm.at[pl.ds(wid * ROWS_PER_W, ROWS_PER_W)])


_scores_sc = functools.partial(
    pl.kernel,
    out_type=jax.ShapeDtypeStruct((ROWS_SC,), jnp.float32),
    mesh=plsc.VectorSubcoreMesh(core_axis_name="c", subcore_axis_name="s"),
    compiler_params=pltpu.CompilerParams(needs_layout_passes=False),
    scratch_types=[
        pltpu.VMEM((D,), jnp.float32),
        pltpu.VMEM((CHUNK, D), jnp.float32),
        pltpu.VMEM((ROWS_PER_W,), jnp.float32),
        pltpu.SemaphoreType.DMA,
    ],
)(_scores_body)


def _tc_matvec_body(a_hbm, w_ref, o_ref, bufs, sems):
    for i in range(NBUF):
        pltpu.make_async_copy(
            a_hbm.at[pl.ds(i * BLK, BLK)], bufs.at[i], sems.at[i]
        ).start()
    w = w_ref[...]
    for i in range(NBLK):
        b = i % NBUF
        pltpu.make_async_copy(
            a_hbm.at[pl.ds(i * BLK, BLK)], bufs.at[b], sems.at[b]
        ).wait()
        o_ref[i, :] = jnp.sum(bufs[b] * w, axis=1)
        nxt = i + NBUF
        if nxt < NBLK:
            pltpu.make_async_copy(
                a_hbm.at[pl.ds(nxt * BLK, BLK)], bufs.at[b], sems.at[b]
            ).start()


def _softmax_body(tc_ref, sc_ref, o_ref):
    a = tc_ref[...]
    b = sc_ref[...]
    m = jnp.maximum(jnp.max(a), jnp.max(b))
    ea = jnp.exp(a - m)
    eb = jnp.exp(b - m)
    inv = 1.0 / (jnp.sum(ea) + jnp.sum(eb))
    o_ref[pl.ds(0, ROWS_TC)] = ea.reshape(ROWS_TC) * inv
    o_ref[pl.ds(ROWS_TC, ROWS_SC)] = eb * inv


def kernel(feature_vector, W):
    w = W.reshape(D)
    scores_sc = _scores_sc(feature_vector, w)
    scores_tc = pl.pallas_call(
        _tc_matvec_body,
        in_specs=[
            pl.BlockSpec(memory_space=pl.ANY),
            pl.BlockSpec((1, D), lambda: (0, 0)),
        ],
        out_specs=pl.BlockSpec((NBLK, BLK), lambda: (0, 0)),
        out_shape=jax.ShapeDtypeStruct((NBLK, BLK), jnp.float32),
        scratch_shapes=[
            pltpu.VMEM((NBUF, BLK, D), jnp.float32),
            pltpu.SemaphoreType.DMA((NBUF,)),
        ],
        compiler_params=pltpu.CompilerParams(skip_device_barrier=True),
    )(feature_vector, W.reshape(1, D))
    probs = pl.pallas_call(
        _softmax_body,
        out_shape=jax.ShapeDtypeStruct((N_ROWS,), jnp.float32),
    )(scores_tc, scores_sc)
    return probs.reshape(1, N_ROWS, 1)

# --- scband reference (transcript-rebuilt; emitter-appended) ---
"""Pipeline reference for scband-sparse-linear-3908420240146 (READ-ONLY COPY).

The authoritative reference and input builder live on the scoring server;
editing this copy changes nothing except your own understanding.
"""

import jax, jax.numpy as jnp
import numpy as np
import math

N_FEATURES = 1024
N_ROWS = 16384

def setup_inputs(seed: int = 0) -> dict:
    key = jax.random.key(seed)
    k1, k2 = jax.random.split(key)
    feature_vector = jax.random.normal(k1, (N_ROWS, N_FEATURES), dtype=jnp.float32)
    stdv = 1.0 / math.sqrt(N_FEATURES)
    W = jax.random.uniform(k2, (N_FEATURES, 1), dtype=jnp.float32, minval=-stdv, maxval=stdv)
    return {"feature_vector": feature_vector, "W": W}

def reference(feature_vector, W):
    # torch.spmm(feature_vector, self.linear) -> dense matmul in jax
    score = feature_vector @ W            # [N, 1]
    score = score[None, :, :]             # unsqueeze(0) -> [1, N, 1]
    probability = jax.nn.softmax(score, axis=1)  # Softmax(dim=1) over N
    return probability

if __name__ == "__main__":
    import jax
    _d = setup_inputs()
    print(jax.jit(kernel)(*tuple(_d.values())))

</pallas_src>

<mosaic_0001>
#map = affine_map<(d0, d1) -> (0, 0)>
#map1 = affine_map<(d0, d1) -> (0)>
module attributes {stable_mosaic.version = 14 : i64} {
  func.func @_scores_body(%arg0: i32, %arg1: i32, %arg2: memref<16384x1024xf32, #tpu.memory_space<hbm>>, %arg3: memref<1024xf32, #tpu.memory_space<hbm>>, %arg4: memref<1024xf32, #tpu.memory_space<hbm>>, %arg5: memref<1024xf32, #tpu.memory_space<vmem>>, %arg6: memref<16x1024xf32, #tpu.memory_space<vmem>>, %arg7: memref<32xf32, #tpu.memory_space<vmem>>, %arg8: memref<!tpu.dma_semaphore, #tpu.memory_space<semaphore_mem>>) attributes {dimension_semantics = [#tpu.dimension_semantics<core_parallel>, #tpu.dimension_semantics<subcore_parallel>], iteration_bounds = array<i64: 2, 16>, scalar_prefetch = 0 : i64, scratch_operands = 4 : i64, tpu.core_type = #tpu.core_type<sc_vector_subcore>, window_params = [{transform_indices = #map}, {transform_indices = #map1}, {transform_indices = #map1}]} {
    %mul3A = arith.constant 2 : i32
    %mul3A_0 = arith.muli %arg1, %mul3A : i32
    %add3A = arith.addi %mul3A_0, %arg0 : i32
    %mul3A_1 = arith.constant 32 : i32
    %mul3A_2 = arith.muli %add3A, %mul3A_1 : i32
    %add3A_3 = arith.constant 15360 : i32
    %add3A_4 = arith.addi %add3A_3, %mul3A_2 : i32
    "tpu.region"() ({
      %run_scoped3A = tpu.sem_alloc : memref<!tpu.dma_semaphore, #tpu.memory_space<semaphore_mem>>
      tpu.enqueue_dma source(%arg3 : memref<1024xf32, #tpu.memory_space<hbm>>) target(%arg5 : memref<1024xf32, #tpu.memory_space<vmem>>) target_semaphore(%run_scoped3A : memref<!tpu.dma_semaphore, #tpu.memory_space<semaphore_mem>>)
      tpu.wait_dma2 semaphore(%run_scoped3A : memref<!tpu.dma_semaphore, #tpu.memory_space<semaphore_mem>>) src(%arg3 : memref<1024xf32, #tpu.memory_space<hbm>>) dst(%arg5 : memref<1024xf32, #tpu.memory_space<vmem>>)
      tpu.yield
    }) : () -> ()
    %scan3A = arith.constant 0 : i32
    %scan3A_5 = arith.constant 0 : i32
    %scan3A_6 = arith.constant 2 : i32
    %scan3A_7 = arith.addi %scan3A_5, %scan3A_6 : i32
    %scan3A_8 = arith.constant 1 : i32
    %scan3A_9 = scf.for %scan3A_13 = %scan3A_5 to %scan3A_7 step %scan3A_8 iter_args(%scan3A_14 = %scan3A) -> (i32)  : i32 {
      %mul3A_15 = arith.constant 16 : i32
      %mul3A_16 = arith.muli %scan3A_13, %mul3A_15 : i32
      %add3A_17 = arith.addi %add3A_4, %mul3A_16 : i32
      "tpu.region"() ({
        %run_scoped3A = tpu.sem_alloc : memref<!tpu.dma_semaphore, #tpu.memory_space<semaphore_mem>>
        %dma_start3A = arith.constant 0 : i32
        %dma_start3A_202 = tpu.memref_slice %arg2[%add3A_17, %dma_start3A] : memref<16384x1024xf32, #tpu.memory_space<hbm>> -> memref<16x1024xf32, #tpu.memory_space<hbm>>
        %dma_start3A_203 = arith.constant 0 : i32
        %dma_start3A_204 = tpu.memref_slice %arg2[%add3A_17, %dma_start3A_203] : memref<16384x1024xf32, #tpu.memory_space<hbm>> -> memref<16x1024xf32, #tpu.memory_space<hbm>>
        tpu.enqueue_dma source(%dma_start3A_204 : memref<16x1024xf32, #tpu.memory_space<hbm>>) target(%arg6 : memref<16x1024xf32, #tpu.memory_space<vmem>>) target_semaphore(%run_scoped3A : memref<!tpu.dma_semaphore, #tpu.memory_space<semaphore_mem>>)
        %dma_wait3A = arith.constant 0 : i32
        %dma_wait3A_205 = tpu.memref_slice %arg2[%add3A_17, %dma_wait3A] : memref<16384x1024xf32, #tpu.memory_space<hbm>> -> memref<16x1024xf32, #tpu.memory_space<hbm>>
        %dma_wait3A_206 = arith.constant 0 : i32
        %dma_wait3A_207 = tpu.memref_slice %arg2[%add3A_17, %dma_wait3A_206] : memref<16384x1024xf32, #tpu.memory_space<hbm>> -> memref<16x1024xf32, #tpu.memory_space<hbm>>
        tpu.wait_dma2 semaphore(%run_scoped3A : memref<!tpu.dma_semaphore, #tpu.memory_space<semaphore_mem>>) src(%dma_wait3A_207 : memref<16x1024xf32, #tpu.memory_space<hbm>>) dst(%arg6 : memref<16x1024xf32, #tpu.memory_space<vmem>>)
        tpu.yield
      }) : () -> ()
      %broadcast_in_dim3A = arith.constant 0.000000e+00 : f32
      %broadcast_in_dim3A_18 = vector.broadcast %broadcast_in_dim3A : f32 to vector<16xf32>
      %broadcast_in_dim3A_19 = arith.constant 0.000000e+00 : f32
      %broadcast_in_dim3A_20 = vector.broadcast %broadcast_in_dim3A_19 : f32 to vector<16xf32>
      %broadcast_in_dim3A_21 = arith.constant 0.000000e+00 : f32
      %broadcast_in_dim3A_22 = vector.broadcast %broadcast_in_dim3A_21 : f32 to vector<16xf32>
      %broadcast_in_dim3A_23 = arith.constant 0.000000e+00 : f32
      %broadcast_in_dim3A_24 = vector.broadcast %broadcast_in_dim3A_23 : f32 to vector<16xf32>
      %broadcast_in_dim3A_25 = arith.constant 0.000000e+00 : f32
      %broadcast_in_dim3A_26 = vector.broadcast %broadcast_in_dim3A_25 : f32 to vector<16xf32>
      %broadcast_in_dim3A_27 = arith.constant 0.000000e+00 : f32
      %broadcast_in_dim3A_28 = vector.broadcast %broadcast_in_dim3A_27 : f32 to vector<16xf32>
      %broadcast_in_dim3A_29 = arith.constant 0.000000e+00 : f32
      %broadcast_in_dim3A_30 = vector.broadcast %broadcast_in_dim3A_29 : f32 to vector<16xf32>
      %broadcast_in_dim3A_31 = arith.constant 0.000000e+00 : f32
      %broadcast_in_dim3A_32 = vector.broadcast %broadcast_in_dim3A_31 : f32 to vector<16xf32>
      %broadcast_in_dim3A_33 = arith.constant 0.000000e+00 : f32
      %broadcast_in_dim3A_34 = vector.broadcast %broadcast_in_dim3A_33 : f32 to vector<16xf32>
      %broadcast_in_dim3A_35 = arith.constant 0.000000e+00 : f32
      %broadcast_in_dim3A_36 = vector.broadcast %broadcast_in_dim3A_35 : f32 to vector<16xf32>
      %broadcast_in_dim3A_37 = arith.constant 0.000000e+00 : f32
      %broadcast_in_dim3A_38 = vector.broadcast %broadcast_in_dim3A_37 : f32 to vector<16xf32>
      %broadcast_in_dim3A_39 = arith.constant 0.000000e+00 : f32
      %broadcast_in_dim3A_40 = vector.broadcast %broadcast_in_dim3A_39 : f32 to vector<16xf32>
      %broadcast_in_dim3A_41 = arith.constant 0.000000e+00 : f32
      %broadcast_in_dim3A_42 = vector.broadcast %broadcast_in_dim3A_41 : f32 to vector<16xf32>
      %broadcast_in_dim3A_43 = arith.constant 0.000000e+00 : f32
      %broadcast_in_dim3A_44 = vector.broadcast %broadcast_in_dim3A_43 : f32 to vector<16xf32>
      %broadcast_in_dim3A_45 = arith.constant 0.000000e+00 : f32
      %broadcast_in_dim3A_46 = vector.broadcast %broadcast_in_dim3A_45 : f32 to vector<16xf32>
      %broadcast_in_dim3A_47 = arith.constant 0.000000e+00 : f32
      %broadcast_in_dim3A_48 = vector.broadcast %broadcast_in_dim3A_47 : f32 to vector<16xf32>
      %scan3A_49 = arith.constant 0 : i32
      %scan3A_50 = arith.constant 64 : i32
      %scan3A_51 = arith.addi %scan3A_49, %scan3A_50 : i32
      %scan3A_52 = arith.constant 1 : i32
      %scan3A_53:16 = scf.for %scan3A_202 = %scan3A_49 to %scan3A_51 step %scan3A_52 iter_args(%scan3A_203 = %broadcast_in_dim3A_18, %scan3A_204 = %broadcast_in_dim3A_20, %scan3A_205 = %broadcast_in_dim3A_22, %scan3A_206 = %broadcast_in_dim3A_24, %scan3A_207 = %broadcast_in_dim3A_26, %scan3A_208 = %broadcast_in_dim3A_28, %scan3A_209 = %broadcast_in_dim3A_30, %scan3A_210 = %broadcast_in_dim3A_32, %scan3A_211 = %broadcast_in_dim3A_34, %scan3A_212 = %broadcast_in_dim3A_36, %scan3A_213 = %broadcast_in_dim3A_38, %scan3A_214 = %broadcast_in_dim3A_40, %scan3A_215 = %broadcast_in_dim3A_42, %scan3A_216 = %broadcast_in_dim3A_44, %scan3A_217 = %broadcast_in_dim3A_46, %scan3A_218 = %broadcast_in_dim3A_48) -> (vector<16xf32>, vector<16xf32>, vector<16xf32>, vector<16xf32>, vector<16xf32>, vector<16xf32>, vector<16xf32>, vector<16xf32>, vector<16xf32>, vector<16xf32>, vector<16xf32>, vector<16xf32>, vector<16xf32>, vector<16xf32>, vector<16xf32>, vector<16xf32>)  : i32 {
        %mul3A_219 = arith.constant 16 : i32
        %mul3A_220 = arith.muli %scan3A_202, %mul3A_219 : i32
        %get3A = arith.index_cast %mul3A_220 : i32 to index
        %get3A_221 = tpu.vector_load %arg5[%get3A] {strides = array<i32>} : memref<1024xf32, #tpu.memory_space<vmem>>, vector<16xf32>,
        %mul3A_222 = arith.constant 16 : i32
        %mul3A_223 = arith.muli %scan3A_202, %mul3A_222 : i32
        %get3A_224 = arith.constant 0 : i32
        %get3A_225 = arith.index_cast %get3A_224 : i32 to index
        %get3A_226 = arith.index_cast %mul3A_223 : i32 to index
        %get3A_227 = tpu.vector_load %arg6[%get3A_225, %get3A_226] {strides = array<i32>} : memref<16x1024xf32, #tpu.memory_space<vmem>>, vector<16xf32>,
        %mul3A_228 = arith.mulf %get3A_227, %get3A_221 : vector<16xf32>
        %add3A_229 = arith.addf %scan3A_203, %mul3A_228 : vector<16xf32>
        %mul3A_230 = arith.constant 16 : i32
        %mul3A_231 = arith.muli %scan3A_202, %mul3A_230 : i32
        %get3A_232 = arith.constant 1 : i32
        %get3A_233 = arith.index_cast %get3A_232 : i32 to index
        %get3A_234 = arith.index_cast %mul3A_231 : i32 to index
        %get3A_235 = tpu.vector_load %arg6[%get3A_233, %get3A_234] {strides = array<i32>} : memref<16x1024xf32, #tpu.memory_space<vmem>>, vector<16xf32>,
        %mul3A_236 = arith.mulf %get3A_235, %get3A_221 : vector<16xf32>
        %add3A_237 = arith.addf %scan3A_204, %mul3A_236 : vector<16xf32>
        %mul3A_238 = arith.constant 16 : i32
        %mul3A_239 = arith.muli %scan3A_202, %mul3A_238 : i32
        %get3A_240 = arith.constant 2 : i32
        %get3A_241 = arith.index_cast %get3A_240 : i32 to index
        %get3A_242 = arith.index_cast %mul3A_239 : i32 to index
        %get3A_243 = tpu.vector_load %arg6[%get3A_241, %get3A_242] {strides = array<i32>} : memref<16x1024xf32, #tpu.memory_space<vmem>>, vector<16xf32>,
        %mul3A_244 = arith.mulf %get3A_243, %get3A_221 : vector<16xf32>
        %add3A_245 = arith.addf %scan3A_205, %mul3A_244 : vector<16xf32>
        %mul3A_246 = arith.constant 16 : i32
        %mul3A_247 = arith.muli %scan3A_202, %mul3A_246 : i32
        %get3A_248 = arith.constant 3 : i32
        %get3A_249 = arith.index_cast %get3A_248 : i32 to index
        %get3A_250 = arith.index_cast %mul3A_247 : i32 to index
        %get3A_251 = tpu.vector_load %arg6[%get3A_249, %get3A_250] {strides = array<i32>} : memref<16x1024xf32, #tpu.memory_space<vmem>>, vector<16xf32>,
        %mul3A_252 = arith.mulf %get3A_251, %get3A_221 : vector<16xf32>
        %add3A_253 = arith.addf %scan3A_206, %mul3A_252 : vector<16xf32>
        %mul3A_254 = arith.constant 16 : i32
        %mul3A_255 = arith.muli %scan3A_202, %mul3A_254 : i32
        %get3A_256 = arith.constant 4 : i32
        %get3A_257 = arith.index_cast %get3A_256 : i32 to index
        %get3A_258 = arith.index_cast %mul3A_255 : i32 to index
        %get3A_259 = tpu.vector_load %arg6[%get3A_257, %get3A_258] {strides = array<i32>} : memref<16x1024xf32, #tpu.memory_space<vmem>>, vector<16xf32>,
        %mul3A_260 = arith.mulf %get3A_259, %get3A_221 : vector<16xf32>
        %add3A_261 = arith.addf %scan3A_207, %mul3A_260 : vector<16xf32>
        %mul3A_262 = arith.constant 16 : i32
        %mul3A_263 = arith.muli %scan3A_202, %mul3A_262 : i32
        %get3A_264 = arith.constant 5 : i32
        %get3A_265 = arith.index_cast %get3A_264 : i32 to index
        %get3A_266 = arith.index_cast %mul3A_263 : i32 to index
        %get3A_267 = tpu.vector_load %arg6[%get3A_265, %get3A_266] {strides = array<i32>} : memref<16x1024xf32, #tpu.memory_space<vmem>>, vector<16xf32>,
        %mul3A_268 = arith.mulf %get3A_267, %get3A_221 : vector<16xf32>
        %add3A_269 = arith.addf %scan3A_208, %mul3A_268 : vector<16xf32>
        %mul3A_270 = arith.constant 16 : i32
        %mul3A_271 = arith.muli %scan3A_202, %mul3A_270 : i32
        %get3A_272 = arith.constant 6 : i32
        %get3A_273 = arith.index_cast %get3A_272 : i32 to index
        %get3A_274 = arith.index_cast %mul3A_271 : i32 to index
        %get3A_275 = tpu.vector_load %arg6[%get3A_273, %get3A_274] {strides = array<i32>} : memref<16x1024xf32, #tpu.memory_space<vmem>>, vector<16xf32>,
        %mul3A_276 = arith.mulf %get3A_275, %get3A_221 : vector<16xf32>
        %add3A_277 = arith.addf %scan3A_209, %mul3A_276 : vector<16xf32>
        %mul3A_278 = arith.constant 16 : i32
        %mul3A_279 = arith.muli %scan3A_202, %mul3A_278 : i32
        %get3A_280 = arith.constant 7 : i32
        %get3A_281 = arith.index_cast %get3A_280 : i32 to index
        %get3A_282 = arith.index_cast %mul3A_279 : i32 to index
        %get3A_283 = tpu.vector_load %arg6[%get3A_281, %get3A_282] {strides = array<i32>} : memref<16x1024xf32, #tpu.memory_space<vmem>>, vector<16xf32>,
        %mul3A_284 = arith.mulf %get3A_283, %get3A_221 : vector<16xf32>
        %add3A_285 = arith.addf %scan3A_210, %mul3A_284 : vector<16xf32>
        %mul3A_286 = arith.constant 16 : i32
        %mul3A_287 = arith.muli %scan3A_202, %mul3A_286 : i32
        %get3A_288 = arith.constant 8 : i32
        %get3A_289 = arith.index_cast %get3A_288 : i32 to index
        %get3A_290 = arith.index_cast %mul3A_287 : i32 to index
        %get3A_291 = tpu.vector_load %arg6[%get3A_289, %get3A_290] {strides = array<i32>} : memref<16x1024xf32, #tpu.memory_space<vmem>>, vector<16xf32>,
        %mul3A_292 = arith.mulf %get3A_291, %get3A_221 : vector<16xf32>
        %add3A_293 = arith.addf %scan3A_211, %mul3A_292 : vector<16xf32>
        %mul3A_294 = arith.constant 16 : i32
        %mul3A_295 = arith.muli %scan3A_202, %mul3A_294 : i32
        %get3A_296 = arith.constant 9 : i32
        %get3A_297 = arith.index_cast %get3A_296 : i32 to index
        %get3A_298 = arith.index_cast %mul3A_295 : i32 to index
        %get3A_299 = tpu.vector_load %arg6[%get3A_297, %get3A_298] {strides = array<i32>} : memref<16x1024xf32, #tpu.memory_space<vmem>>, vector<16xf32>,
        %mul3A_300 = arith.mulf %get3A_299, %get3A_221 : vector<16xf32>
        %add3A_301 = arith.addf %scan3A_212, %mul3A_300 : vector<16xf32>
        %mul3A_302 = arith.constant 16 : i32
        %mul3A_303 = arith.muli %scan3A_202, %mul3A_302 : i32
        %get3A_304 = arith.constant 10 : i32
        %get3A_305 = arith.index_cast %get3A_304 : i32 to index
        %get3A_306 = arith.index_cast %mul3A_303 : i32 to index
        %get3A_307 = tpu.vector_load %arg6[%get3A_305, %get3A_306] {strides = array<i32>} : memref<16x1024xf32, #tpu.memory_space<vmem>>, vector<16xf32>,
        %mul3A_308 = arith.mulf %get3A_307, %get3A_221 : vector<16xf32>
        %add3A_309 = arith.addf %scan3A_213, %mul3A_308 : vector<16xf32>
        %mul3A_310 = arith.constant 16 : i32
        %mul3A_311 = arith.muli %scan3A_202, %mul3A_310 : i32
        %get3A_312 = arith.constant 11 : i32
        %get3A_313 = arith.index_cast %get3A_312 : i32 to index
        %get3A_314 = arith.index_cast %mul3A_311 : i32 to index
        %get3A_315 = tpu.vector_load %arg6[%get3A_313, %get3A_314] {strides = array<i32>} : memref<16x1024xf32, #tpu.memory_space<vmem>>, vector<16xf32>,
        %mul3A_316 = arith.mulf %get3A_315, %get3A_221 : vector<16xf32>
        %add3A_317 = arith.addf %scan3A_214, %mul3A_316 : vector<16xf32>
        %mul3A_318 = arith.constant 16 : i32
        %mul3A_319 = arith.muli %scan3A_202, %mul3A_318 : i32
        %get3A_320 = arith.constant 12 : i32
        %get3A_321 = arith.index_cast %get3A_320 : i32 to index
        %get3A_322 = arith.index_cast %mul3A_319 : i32 to index
        %get3A_323 = tpu.vector_load %arg6[%get3A_321, %get3A_322] {strides = array<i32>} : memref<16x1024xf32, #tpu.memory_space<vmem>>, vector<16xf32>,
        %mul3A_324 = arith.mulf %get3A_323, %get3A_221 : vector<16xf32>
        %add3A_325 = arith.addf %scan3A_215, %mul3A_324 : vector<16xf32>
        %mul3A_326 = arith.constant 16 : i32
        %mul3A_327 = arith.muli %scan3A_202, %mul3A_326 : i32
        %get3A_328 = arith.constant 13 : i32
        %get3A_329 = arith.index_cast %get3A_328 : i32 to index
        %get3A_330 = arith.index_cast %mul3A_327 : i32 to index
        %get3A_331 = tpu.vector_load %arg6[%get3A_329, %get3A_330] {strides = array<i32>} : memref<16x1024xf32, #tpu.memory_space<vmem>>, vector<16xf32>,
        %mul3A_332 = arith.mulf %get3A_331, %get3A_221 : vector<16xf32>
        %add3A_333 = arith.addf %scan3A_216, %mul3A_332 : vector<16xf32>
        %mul3A_334 = arith.constant 16 : i32
        %mul3A_335 = arith.muli %scan3A_202, %mul3A_334 : i32
        %get3A_336 = arith.constant 14 : i32
        %get3A_337 = arith.index_cast %get3A_336 : i32 to index
        %get3A_338 = arith.index_cast %mul3A_335 : i32 to index
        %get3A_339 = tpu.vector_load %arg6[%get3A_337, %get3A_338] {strides = array<i32>} : memref<16x1024xf32, #tpu.memory_space<vmem>>, vector<16xf32>,
        %mul3A_340 = arith.mulf %get3A_339, %get3A_221 : vector<16xf32>
        %add3A_341 = arith.addf %scan3A_217, %mul3A_340 : vector<16xf32>
        %mul3A_342 = arith.constant 16 : i32
        %mul3A_343 = arith.muli %scan3A_202, %mul3A_342 : i32
        %get3A_344 = arith.constant 15 : i32
        %get3A_345 = arith.index_cast %get3A_344 : i32 to index
        %get3A_346 = arith.index_cast %mul3A_343 : i32 to index
        %get3A_347 = tpu.vector_load %arg6[%get3A_345, %get3A_346] {strides = array<i32>} : memref<16x1024xf32, #tpu.memory_space<vmem>>, vector<16xf32>,
        %mul3A_348 = arith.mulf %get3A_347, %get3A_221 : vector<16xf32>
        %add3A_349 = arith.addf %scan3A_218, %mul3A_348 : vector<16xf32>
        scf.yield %add3A_229, %add3A_237, %add3A_245, %add3A_253, %add3A_261, %add3A_269, %add3A_277, %add3A_285, %add3A_293, %add3A_301, %add3A_309, %add3A_317, %add3A_325, %add3A_333, %add3A_341, %add3A_349 : vector<16xf32>, vector<16xf32>, vector<16xf32>, vector<16xf32>, vector<16xf32>, vector<16xf32>, vector<16xf32>, vector<16xf32>, vector<16xf32>, vector<16xf32>, vector<16xf32>, vector<16xf32>, vector<16xf32>, vector<16xf32>, vector<16xf32>, vector<16xf32>
      }
      %scan3A_54 = arith.constant 64 : i32
      %iota3A = tpu.iota {dimensions = array<i32: 0>} : vector<16xi32>
      %broadcast_in_dim3A_55 = arith.constant 0.000000e+00 : f32
      %broadcast_in_dim3A_56 = vector.broadcast %broadcast_in_dim3A_55 : f32 to vector<16xf32>
      %eq3A = arith.constant 0 : i32
      %eq3A_57 = vector.broadcast %eq3A : i32 to vector<16xi32>
      %eq3A_58 = arith.cmpi eq, %iota3A, %eq3A_57 : vector<16xi32>
      %reduce_sum3A = arith.constant true
      %reduce_sum3A_59 = vector.broadcast %reduce_sum3A : i1 to vector<16xi1>
      %reduce_sum3A_60 = tpu.scan <sum>, %scan3A_53#0 masked %reduce_sum3A_59 : vector<16xf32>, vector<16xi1> -> vector<16xf32>
      %reduce_sum3A_61 = vector.extract %reduce_sum3A_60[15] : f32 from vector<16xf32>
      %broadcast_in_dim3A_62 = vector.broadcast %reduce_sum3A_61 : f32 to vector<16xf32>
      %select_n3A = arith.select %eq3A_58, %broadcast_in_dim3A_62, %broadcast_in_dim3A_56 : vector<16xi1>, vector<16xf32>
      %eq3A_63 = arith.constant 1 : i32
      %eq3A_64 = vector.broadcast %eq3A_63 : i32 to vector<16xi32>
      %eq3A_65 = arith.cmpi eq, %iota3A, %eq3A_64 : vector<16xi32>
      %reduce_sum3A_66 = arith.constant true
      %reduce_sum3A_67 = vector.broadcast %reduce_sum3A_66 : i1 to vector<16xi1>
      %reduce_sum3A_68 = tpu.scan <sum>, %scan3A_53#1 masked %reduce_sum3A_67 : vector<16xf32>, vector<16xi1> -> vector<16xf32>
      %reduce_sum3A_69 = vector.extract %reduce_sum3A_68[15] : f32 from vector<16xf32>
      %broadcast_in_dim3A_70 = vector.broadcast %reduce_sum3A_69 : f32 to vector<16xf32>
      %select_n3A_71 = arith.select %eq3A_65, %broadcast_in_dim3A_70, %select_n3A : vector<16xi1>, vector<16xf32>
      %eq3A_72 = arith.constant 2 : i32
      %eq3A_73 = vector.broadcast %eq3A_72 : i32 to vector<16xi32>
      %eq3A_74 = arith.cmpi eq, %iota3A, %eq3A_73 : vector<16xi32>
      %reduce_sum3A_75 = arith.constant true
      %reduce_sum3A_76 = vector.broadcast %reduce_sum3A_75 : i1 to vector<16xi1>
      %reduce_sum3A_77 = tpu.scan <sum>, %scan3A_53#2 masked %reduce_sum3A_76 : vector<16xf32>, vector<16xi1> -> vector<16xf32>
      %reduce_sum3A_78 = vector.extract %reduce_sum3A_77[15] : f32 from vector<16xf32>
      %broadcast_in_dim3A_79 = vector.broadcast %reduce_sum3A_78 : f32 to vector<16xf32>
      %select_n3A_80 = arith.select %eq3A_74, %broadcast_in_dim3A_79, %select_n3A_71 : vector<16xi1>, vector<16xf32>
      %eq3A_81 = arith.constant 3 : i32
      %eq3A_82 = vector.broadcast %eq3A_81 : i32 to vector<16xi32>
      %eq3A_83 = arith.cmpi eq, %iota3A, %eq3A_82 : vector<16xi32>
      %reduce_sum3A_84 = arith.constant true
      %reduce_sum3A_85 = vector.broadcast %reduce_sum3A_84 : i1 to vector<16xi1>
      %reduce_sum3A_86 = tpu.scan <sum>, %scan3A_53#3 masked %reduce_sum3A_85 : vector<16xf32>, vector<16xi1> -> vector<16xf32>
      %reduce_sum3A_87 = vector.extract %reduce_sum3A_86[15] : f32 from vector<16xf32>
      %broadcast_in_dim3A_88 = vector.broadcast %reduce_sum3A_87 : f32 to vector<16xf32>
      %select_n3A_89 = arith.select %eq3A_83, %broadcast_in_dim3A_88, %select_n3A_80 : vector<16xi1>, vector<16xf32>
      %eq3A_90 = arith.constant 4 : i32
      %eq3A_91 = vector.broadcast %eq3A_90 : i32 to vector<16xi32>
      %eq3A_92 = arith.cmpi eq, %iota3A, %eq3A_91 : vector<16xi32>
      %reduce_sum3A_93 = arith.constant true
      %reduce_sum3A_94 = vector.broadcast %reduce_sum3A_93 : i1 to vector<16xi1>
      %reduce_sum3A_95 = tpu.scan <sum>, %scan3A_53#4 masked %reduce_sum3A_94 : vector<16xf32>, vector<16xi1> -> vector<16xf32>
      %reduce_sum3A_96 = vector.extract %reduce_sum3A_95[15] : f32 from vector<16xf32>
      %broadcast_in_dim3A_97 = vector.broadcast %reduce_sum3A_96 : f32 to vector<16xf32>
      %select_n3A_98 = arith.select %eq3A_92, %broadcast_in_dim3A_97, %select_n3A_89 : vector<16xi1>, vector<16xf32>
      %eq3A_99 = arith.constant 5 : i32
      %eq3A_100 = vector.broadcast %eq3A_99 : i32 to vector<16xi32>
      %eq3A_101 = arith.cmpi eq, %iota3A, %eq3A_100 : vector<16xi32>
      %reduce_sum3A_102 = arith.constant true
      %reduce_sum3A_103 = vector.broadcast %reduce_sum3A_102 : i1 to vector<16xi1>
      %reduce_sum3A_104 = tpu.scan <sum>, %scan3A_53#5 masked %reduce_sum3A_103 : vector<16xf32>, vector<16xi1> -> vector<16xf32>
      %reduce_sum3A_105 = vector.extract %reduce_sum3A_104[15] : f32 from vector<16xf32>
      %broadcast_in_dim3A_106 = vector.broadcast %reduce_sum3A_105 : f32 to vector<16xf32>
      %select_n3A_107 = arith.select %eq3A_101, %broadcast_in_dim3A_106, %select_n3A_98 : vector<16xi1>, vector<16xf32>
      %eq3A_108 = arith.constant 6 : i32
      %eq3A_109 = vector.broadcast %eq3A_108 : i32 to vector<16xi32>
      %eq3A_110 = arith.cmpi eq, %iota3A, %eq3A_109 : vector<16xi32>
      %reduce_sum3A_111 = arith.constant true
      %reduce_sum3A_112 = vector.broadcast %reduce_sum3A_111 : i1 to vector<16xi1>
      %reduce_sum3A_113 = tpu.scan <sum>, %scan3A_53#6 masked %reduce_sum3A_112 : vector<16xf32>, vector<16xi1> -> vector<16xf32>
      %reduce_sum3A_114 = vector.extract %reduce_sum3A_113[15] : f32 from vector<16xf32>
      %broadcast_in_dim3A_115 = vector.broadcast %reduce_sum3A_114 : f32 to vector<16xf32>
      %select_n3A_116 = arith.select %eq3A_110, %broadcast_in_dim3A_115, %select_n3A_107 : vector<16xi1>, vector<16xf32>
      %eq3A_117 = arith.constant 7 : i32
      %eq3A_118 = vector.broadcast %eq3A_117 : i32 to vector<16xi32>
      %eq3A_119 = arith.cmpi eq, %iota3A, %eq3A_118 : vector<16xi32>
      %reduce_sum3A_120 = arith.constant true
      %reduce_sum3A_121 = vector.broadcast %reduce_sum3A_120 : i1 to vector<16xi1>
      %reduce_sum3A_122 = tpu.scan <sum>, %scan3A_53#7 masked %reduce_sum3A_121 : vector<16xf32>, vector<16xi1> -> vector<16xf32>
      %reduce_sum3A_123 = vector.extract %reduce_sum3A_122[15] : f32 from vector<16xf32>
      %broadcast_in_dim3A_124 = vector.broadcast %reduce_sum3A_123 : f32 to vector<16xf32>
      %select_n3A_125 = arith.select %eq3A_119, %broadcast_in_dim3A_124, %select_n3A_116 : vector<16xi1>, vector<16xf32>
      %eq3A_126 = arith.constant 8 : i32
      %eq3A_127 = vector.broadcast %eq3A_126 : i32 to vector<16xi32>
      %eq3A_128 = arith.cmpi eq, %iota3A, %eq3A_127 : vector<16xi32>
      %reduce_sum3A_129 = arith.constant true
      %reduce_sum3A_130 = vector.broadcast %reduce_sum3A_129 : i1 to vector<16xi1>
      %reduce_sum3A_131 = tpu.scan <sum>, %scan3A_53#8 masked %reduce_sum3A_130 : vector<16xf32>, vector<16xi1> -> vector<16xf32>
      %reduce_sum3A_132 = vector.extract %reduce_sum3A_131[15] : f32 from vector<16xf32>
      %broadcast_in_dim3A_133 = vector.broadcast %reduce_sum3A_132 : f32 to vector<16xf32>
      %select_n3A_134 = arith.select %eq3A_128, %broadcast_in_dim3A_133, %select_n3A_125 : vector<16xi1>, vector<16xf32>
      %eq3A_135 = arith.constant 9 : i32
      %eq3A_136 = vector.broadcast %eq3A_135 : i32 to vector<16xi32>
      %eq3A_137 = arith.cmpi eq, %iota3A, %eq3A_136 : vector<16xi32>
      %reduce_sum3A_138 = arith.constant true
      %reduce_sum3A_139 = vector.broadcast %reduce_sum3A_138 : i1 to vector<16xi1>
      %reduce_sum3A_140 = tpu.scan <sum>, %scan3A_53#9 masked %reduce_sum3A_139 : vector<16xf32>, vector<16xi1> -> vector<16xf32>
      %reduce_sum3A_141 = vector.extract %reduce_sum3A_140[15] : f32 from vector<16xf32>
      %broadcast_in_dim3A_142 = vector.broadcast %reduce_sum3A_141 : f32 to vector<16xf32>
      %select_n3A_143 = arith.select %eq3A_137, %broadcast_in_dim3A_142, %select_n3A_134 : vector<16xi1>, vector<16xf32>
      %eq3A_144 = arith.constant 10 : i32
      %eq3A_145 = vector.broadcast %eq3A_144 : i32 to vector<16xi32>
      %eq3A_146 = arith.cmpi eq, %iota3A, %eq3A_145 : vector<16xi32>
      %reduce_sum3A_147 = arith.constant true
      %reduce_sum3A_148 = vector.broadcast %reduce_sum3A_147 : i1 to vector<16xi1>
      %reduce_sum3A_149 = tpu.scan <sum>, %scan3A_53#10 masked %reduce_sum3A_148 : vector<16xf32>, vector<16xi1> -> vector<16xf32>
      %reduce_sum3A_150 = vector.extract %reduce_sum3A_149[15] : f32 from vector<16xf32>
      %broadcast_in_dim3A_151 = vector.broadcast %reduce_sum3A_150 : f32 to vector<16xf32>
      %select_n3A_152 = arith.select %eq3A_146, %broadcast_in_dim3A_151, %select_n3A_143 : vector<16xi1>, vector<16xf32>
      %eq3A_153 = arith.constant 11 : i32
      %eq3A_154 = vector.broadcast %eq3A_153 : i32 to vector<16xi32>
      %eq3A_155 = arith.cmpi eq, %iota3A, %eq3A_154 : vector<16xi32>
      %reduce_sum3A_156 = arith.constant true
      %reduce_sum3A_157 = vector.broadcast %reduce_sum3A_156 : i1 to vector<16xi1>
      %reduce_sum3A_158 = tpu.scan <sum>, %scan3A_53#11 masked %reduce_sum3A_157 : vector<16xf32>, vector<16xi1> -> vector<16xf32>
      %reduce_sum3A_159 = vector.extract %reduce_sum3A_158[15] : f32 from vector<16xf32>
      %broadcast_in_dim3A_160 = vector.broadcast %reduce_sum3A_159 : f32 to vector<16xf32>
      %select_n3A_161 = arith.select %eq3A_155, %broadcast_in_dim3A_160, %select_n3A_152 : vector<16xi1>, vector<16xf32>
      %eq3A_162 = arith.constant 12 : i32
      %eq3A_163 = vector.broadcast %eq3A_162 : i32 to vector<16xi32>
      %eq3A_164 = arith.cmpi eq, %iota3A, %eq3A_163 : vector<16xi32>
      %reduce_sum3A_165 = arith.constant true
      %reduce_sum3A_166 = vector.broadcast %reduce_sum3A_165 : i1 to vector<16xi1>
      %reduce_sum3A_167 = tpu.scan <sum>, %scan3A_53#12 masked %reduce_sum3A_166 : vector<16xf32>, vector<16xi1> -> vector<16xf32>
      %reduce_sum3A_168 = vector.extract %reduce_sum3A_167[15] : f32 from vector<16xf32>
      %broadcast_in_dim3A_169 = vector.broadcast %reduce_sum3A_168 : f32 to vector<16xf32>
      %select_n3A_170 = arith.select %eq3A_164, %broadcast_in_dim3A_169, %select_n3A_161 : vector<16xi1>, vector<16xf32>
      %eq3A_171 = arith.constant 13 : i32
      %eq3A_172 = vector.broadcast %eq3A_171 : i32 to vector<16xi32>
      %eq3A_173 = arith.cmpi eq, %iota3A, %eq3A_172 : vector<16xi32>
      %reduce_sum3A_174 = arith.constant true
      %reduce_sum3A_175 = vector.broadcast %reduce_sum3A_174 : i1 to vector<16xi1>
      %reduce_sum3A_176 = tpu.scan <sum>, %scan3A_53#13 masked %reduce_sum3A_175 : vector<16xf32>, vector<16xi1> -> vector<16xf32>
      %reduce_sum3A_177 = vector.extract %reduce_sum3A_176[15] : f32 from vector<16xf32>
      %broadcast_in_dim3A_178 = vector.broadcast %reduce_sum3A_177 : f32 to vector<16xf32>
      %select_n3A_179 = arith.select %eq3A_173, %broadcast_in_dim3A_178, %select_n3A_170 : vector<16xi1>, vector<16xf32>
      %eq3A_180 = arith.constant 14 : i32
      %eq3A_181 = vector.broadcast %eq3A_180 : i32 to vector<16xi32>
      %eq3A_182 = arith.cmpi eq, %iota3A, %eq3A_181 : vector<16xi32>
      %reduce_sum3A_183 = arith.constant true
      %reduce_sum3A_184 = vector.broadcast %reduce_sum3A_183 : i1 to vector<16xi1>
      %reduce_sum3A_185 = tpu.scan <sum>, %scan3A_53#14 masked %reduce_sum3A_184 : vector<16xf32>, vector<16xi1> -> vector<16xf32>
      %reduce_sum3A_186 = vector.extract %reduce_sum3A_185[15] : f32 from vector<16xf32>
      %broadcast_in_dim3A_187 = vector.broadcast %reduce_sum3A_186 : f32 to vector<16xf32>
      %select_n3A_188 = arith.select %eq3A_182, %broadcast_in_dim3A_187, %select_n3A_179 : vector<16xi1>, vector<16xf32>
      %eq3A_189 = arith.constant 15 : i32
      %eq3A_190 = vector.broadcast %eq3A_189 : i32 to vector<16xi32>
      %eq3A_191 = arith.cmpi eq, %iota3A, %eq3A_190 : vector<16xi32>
      %reduce_sum3A_192 = arith.constant true
      %reduce_sum3A_193 = vector.broadcast %reduce_sum3A_192 : i1 to vector<16xi1>
      %reduce_sum3A_194 = tpu.scan <sum>, %scan3A_53#15 masked %reduce_sum3A_193 : vector<16xf32>, vector<16xi1> -> vector<16xf32>
      %reduce_sum3A_195 = vector.extract %reduce_sum3A_194[15] : f32 from vector<16xf32>
      %broadcast_in_dim3A_196 = vector.broadcast %reduce_sum3A_195 : f32 to vector<16xf32>
      %select_n3A_197 = arith.select %eq3A_191, %broadcast_in_dim3A_196, %select_n3A_188 : vector<16xi1>, vector<16xf32>
      %mul3A_198 = arith.constant 16 : i32
      %mul3A_199 = arith.muli %scan3A_13, %mul3A_198 : i32
      %swap3A = arith.index_cast %mul3A_199 : i32 to index
      %swap3A_200 = tpu.vector_load %arg7[%swap3A] {strides = array<i32>} : memref<32xf32, #tpu.memory_space<vmem>>, vector<16xf32>,
      tpu.vector_store %arg7[%swap3A], %select_n3A_197 {strides = array<i32>} : memref<32xf32, #tpu.memory_space<vmem>>, vector<16xf32>,
      %scan3A_201 = arith.constant 0 : i32
      scf.yield %scan3A_201 : i32
    }
    %scan3A_10 = arith.constant 2 : i32
    %mul3A_11 = arith.constant 32 : i32
    %mul3A_12 = arith.muli %add3A, %mul3A_11 : i32
    "tpu.region"() ({
      %run_scoped3A = tpu.sem_alloc : memref<!tpu.dma_semaphore, #tpu.memory_space<semaphore_mem>>
      %dma_start3A = tpu.memref_slice %arg4[%mul3A_12] : memref<1024xf32, #tpu.memory_space<hbm>> -> memref<32xf32, #tpu.memory_space<hbm>>
      %dma_start3A_13 = tpu.memref_slice %arg4[%mul3A_12] : memref<1024xf32, #tpu.memory_space<hbm>> -> memref<32xf32, #tpu.memory_space<hbm>>
      tpu.enqueue_dma source(%arg7 : memref<32xf32, #tpu.memory_space<vmem>>) target(%dma_start3A_13 : memref<32xf32, #tpu.memory_space<hbm>>) target_semaphore(%run_scoped3A : memref<!tpu.dma_semaphore, #tpu.memory_space<semaphore_mem>>)
      %dma_wait3A = tpu.memref_slice %arg4[%mul3A_12] : memref<1024xf32, #tpu.memory_space<hbm>> -> memref<32xf32, #tpu.memory_space<hbm>>
      %dma_wait3A_14 = tpu.memref_slice %arg4[%mul3A_12] : memref<1024xf32, #tpu.memory_space<hbm>> -> memref<32xf32, #tpu.memory_space<hbm>>
      tpu.wait_dma2 semaphore(%run_scoped3A : memref<!tpu.dma_semaphore, #tpu.memory_space<semaphore_mem>>) src(%arg7 : memref<32xf32, #tpu.memory_space<vmem>>) dst(%dma_wait3A_14 : memref<32xf32, #tpu.memory_space<hbm>>)
      tpu.yield
    }) : () -> ()
    return
  }
}

module attributes {stable_mosaic.version = 14 : i64} {
  func.func @_tc_matvec_body(%arg0: memref<16384x1024xf32, #tpu.memory_space<any>>, %arg1: memref<1x1024xf32, #tpu.memory_space<vmem>>, %arg2: memref<15x1024xf32, #tpu.memory_space<vmem>>, %arg3: memref<4x1024x1024xf32, #tpu.memory_space<vmem>>, %arg4: memref<4x!tpu.dma_semaphore, #tpu.memory_space<semaphore_mem>>) attributes {dimension_semantics = [], scalar_prefetch = 0 : i64, scratch_operands = 2 : i64, tpu.core_type = #tpu.core_type<tc>} {
    %dma_start3A = arith.constant 0 : i32
    %dma_start3A_0 = arith.constant 0 : i32
    %dma_start3A_1 = tpu.memref_slice %arg4[%dma_start3A_0] : memref<4x!tpu.dma_semaphore, #tpu.memory_space<semaphore_mem>> -> memref<1x!tpu.dma_semaphore, #tpu.memory_space<semaphore_mem>>
    %dma_start3A_2 = tpu.memref_squeeze %dma_start3A_1 : memref<1x!tpu.dma_semaphore, #tpu.memory_space<semaphore_mem>> -> memref<!tpu.dma_semaphore, #tpu.memory_space<semaphore_mem>>
    %dma_start3A_3 = arith.constant 0 : i32
    %dma_start3A_4 = arith.constant 0 : i32
    %dma_start3A_5 = tpu.memref_slice %arg3[%dma_start3A, %dma_start3A_3, %dma_start3A_4] : memref<4x1024x1024xf32, #tpu.memory_space<vmem>> -> memref<1x1024x1024xf32, #tpu.memory_space<vmem>>
    %dma_start3A_6 = tpu.memref_squeeze %dma_start3A_5 : memref<1x1024x1024xf32, #tpu.memory_space<vmem>> -> memref<1024x1024xf32, #tpu.memory_space<vmem>>
    %dma_start3A_7 = arith.constant 0 : i32
    %dma_start3A_8 = arith.constant 0 : i32
    %dma_start3A_9 = tpu.memref_slice %arg0[%dma_start3A_7, %dma_start3A_8] : memref<16384x1024xf32, #tpu.memory_space<any>> -> memref<1024x1024xf32, #tpu.memory_space<any>>
    tpu.enqueue_dma source(%dma_start3A_9 : memref<1024x1024xf32, #tpu.memory_space<any>>) target(%dma_start3A_6 : memref<1024x1024xf32, #tpu.memory_space<vmem>>) target_semaphore(%dma_start3A_2 : memref<!tpu.dma_semaphore, #tpu.memory_space<semaphore_mem>>)
    %dma_start3A_10 = arith.constant 1 : i32
    %dma_start3A_11 = arith.constant 1 : i32
    %dma_start3A_12 = tpu.memref_slice %arg4[%dma_start3A_11] : memref<4x!tpu.dma_semaphore, #tpu.memory_space<semaphore_mem>> -> memref<1x!tpu.dma_semaphore, #tpu.memory_space<semaphore_mem>>
    %dma_start3A_13 = tpu.memref_squeeze %dma_start3A_12 : memref<1x!tpu.dma_semaphore, #tpu.memory_space<semaphore_mem>> -> memref<!tpu.dma_semaphore, #tpu.memory_space<semaphore_mem>>
    %dma_start3A_14 = arith.constant 0 : i32
    %dma_start3A_15 = arith.constant 0 : i32
    %dma_start3A_16 = tpu.memref_slice %arg3[%dma_start3A_10, %dma_start3A_14, %dma_start3A_15] : memref<4x1024x1024xf32, #tpu.memory_space<vmem>> -> memref<1x1024x1024xf32, #tpu.memory_space<vmem>>
    %dma_start3A_17 = tpu.memref_squeeze %dma_start3A_16 : memref<1x1024x1024xf32, #tpu.memory_space<vmem>> -> memref<1024x1024xf32, #tpu.memory_space<vmem>>
    %dma_start3A_18 = arith.constant 1024 : i32
    %dma_start3A_19 = arith.constant 0 : i32
    %dma_start3A_20 = tpu.memref_slice %arg0[%dma_start3A_18, %dma_start3A_19] : memref<16384x1024xf32, #tpu.memory_space<any>> -> memref<1024x1024xf32, #tpu.memory_space<any>>
    tpu.enqueue_dma source(%dma_start3A_20 : memref<1024x1024xf32, #tpu.memory_space<any>>) target(%dma_start3A_17 : memref<1024x1024xf32, #tpu.memory_space<vmem>>) target_semaphore(%dma_start3A_13 : memref<!tpu.dma_semaphore, #tpu.memory_space<semaphore_mem>>)
    %dma_start3A_21 = arith.constant 2 : i32
    %dma_start3A_22 = arith.constant 2 : i32
    %dma_start3A_23 = tpu.memref_slice %arg4[%dma_start3A_22] : memref<4x!tpu.dma_semaphore, #tpu.memory_space<semaphore_mem>> -> memref<1x!tpu.dma_semaphore, #tpu.memory_space<semaphore_mem>>
    %dma_start3A_24 = tpu.memref_squeeze %dma_start3A_23 : memref<1x!tpu.dma_semaphore, #tpu.memory_space<semaphore_mem>> -> memref<!tpu.dma_semaphore, #tpu.memory_space<semaphore_mem>>
    %dma_start3A_25 = arith.constant 0 : i32
    %dma_start3A_26 = arith.constant 0 : i32
    %dma_start3A_27 = tpu.memref_slice %arg3[%dma_start3A_21, %dma_start3A_25, %dma_start3A_26] : memref<4x1024x1024xf32, #tpu.memory_space<vmem>> -> memref<1x1024x1024xf32, #tpu.memory_space<vmem>>
    %dma_start3A_28 = tpu.memref_squeeze %dma_start3A_27 : memref<1x1024x1024xf32, #tpu.memory_space<vmem>> -> memref<1024x1024xf32, #tpu.memory_space<vmem>>
    %dma_start3A_29 = arith.constant 2048 : i32
    %dma_start3A_30 = arith.constant 0 : i32
    %dma_start3A_31 = tpu.memref_slice %arg0[%dma_start3A_29, %dma_start3A_30] : memref<16384x1024xf32, #tpu.memory_space<any>> -> memref<1024x1024xf32, #tpu.memory_space<any>>
    tpu.enqueue_dma source(%dma_start3A_31 : memref<1024x1024xf32, #tpu.memory_space<any>>) target(%dma_start3A_28 : memref<1024x1024xf32, #tpu.memory_space<vmem>>) target_semaphore(%dma_start3A_24 : memref<!tpu.dma_semaphore, #tpu.memory_space<semaphore_mem>>)
    %dma_start3A_32 = arith.constant 3 : i32
    %dma_start3A_33 = arith.constant 3 : i32
    %dma_start3A_34 = tpu.memref_slice %arg4[%dma_start3A_33] : memref<4x!tpu.dma_semaphore, #tpu.memory_space<semaphore_mem>> -> memref<1x!tpu.dma_semaphore, #tpu.memory_space<semaphore_mem>>
    %dma_start3A_35 = tpu.memref_squeeze %dma_start3A_34 : memref<1x!tpu.dma_semaphore, #tpu.memory_space<semaphore_mem>> -> memref<!tpu.dma_semaphore, #tpu.memory_space<semaphore_mem>>
    %dma_start3A_36 = arith.constant 0 : i32
    %dma_start3A_37 = arith.constant 0 : i32
    %dma_start3A_38 = tpu.memref_slice %arg3[%dma_start3A_32, %dma_start3A_36, %dma_start3A_37] : memref<4x1024x1024xf32, #tpu.memory_space<vmem>> -> memref<1x1024x1024xf32, #tpu.memory_space<vmem>>
    %dma_start3A_39 = tpu.memref_squeeze %dma_start3A_38 : memref<1x1024x1024xf32, #tpu.memory_space<vmem>> -> memref<1024x1024xf32, #tpu.memory_space<vmem>>
    %dma_start3A_40 = arith.constant 3072 : i32
    %dma_start3A_41 = arith.constant 0 : i32
    %dma_start3A_42 = tpu.memref_slice %arg0[%dma_start3A_40, %dma_start3A_41] : memref<16384x1024xf32, #tpu.memory_space<any>> -> memref<1024x1024xf32, #tpu.memory_space<any>>
    tpu.enqueue_dma source(%dma_start3A_42 : memref<1024x1024xf32, #tpu.memory_space<any>>) target(%dma_start3A_39 : memref<1024x1024xf32, #tpu.memory_space<vmem>>) target_semaphore(%dma_start3A_35 : memref<!tpu.dma_semaphore, #tpu.memory_space<semaphore_mem>>)
    %get3A = arith.constant 0 : index
    %get3A_43 = arith.constant 0 : index
    %get3A_44 = vector.load %arg1[%get3A, %get3A_43] : memref<1x1024xf32, #tpu.memory_space<vmem>>, vector<1x1024xf32>
    %dma_wait3A = arith.constant 0 : i32
    %dma_wait3A_45 = arith.constant 0 : i32
    %dma_wait3A_46 = tpu.memref_slice %arg4[%dma_wait3A_45] : memref<4x!tpu.dma_semaphore, #tpu.memory_space<semaphore_mem>> -> memref<1x!tpu.dma_semaphore, #tpu.memory_space<semaphore_mem>>
    %dma_wait3A_47 = tpu.memref_squeeze %dma_wait3A_46 : memref<1x!tpu.dma_semaphore, #tpu.memory_space<semaphore_mem>> -> memref<!tpu.dma_semaphore, #tpu.memory_space<semaphore_mem>>
    %dma_wait3A_48 = arith.constant 0 : i32
    %dma_wait3A_49 = arith.constant 0 : i32
    %dma_wait3A_50 = tpu.memref_slice %arg3[%dma_wait3A, %dma_wait3A_48, %dma_wait3A_49] : memref<4x1024x1024xf32, #tpu.memory_space<vmem>> -> memref<1x1024x1024xf32, #tpu.memory_space<vmem>>
    %dma_wait3A_51 = tpu.memref_squeeze %dma_wait3A_50 : memref<1x1024x1024xf32, #tpu.memory_space<vmem>> -> memref<1024x1024xf32, #tpu.memory_space<vmem>>
    %dma_wait3A_52 = arith.constant 0 : i32
    %dma_wait3A_53 = arith.constant 0 : i32
    %dma_wait3A_54 = tpu.memref_slice %arg0[%dma_wait3A_52, %dma_wait3A_53] : memref<16384x1024xf32, #tpu.memory_space<any>> -> memref<1024x1024xf32, #tpu.memory_space<any>>
    tpu.wait_dma2 semaphore(%dma_wait3A_47 : memref<!tpu.dma_semaphore, #tpu.memory_space<semaphore_mem>>) src(%dma_wait3A_54 : memref<1024x1024xf32, #tpu.memory_space<any>>) dst(%dma_wait3A_51 : memref<1024x1024xf32, #tpu.memory_space<vmem>>)
    %get3A_55 = arith.constant 0 : index
    %get3A_56 = arith.constant 0 : index
    %get3A_57 = arith.constant 0 : index
    %get3A_58 = vector.load %arg3[%get3A_55, %get3A_56, %get3A_57] : memref<4x1024x1024xf32, #tpu.memory_space<vmem>>, vector<1x1024x1024xf32>
    %get3A_59 = vector.shape_cast %get3A_58 : vector<1x1024x1024xf32> to vector<1024x1024xf32>
    %mul3A = vector.broadcast %get3A_44 : vector<1x1024xf32> to vector<1024x1024xf32>
    %mul3A_60 = arith.mulf %get3A_59, %mul3A : vector<1024x1024xf32>
    %reduce_sum3A = arith.constant dense<0.000000e+00> : vector<1024xf32>
    %reduce_sum3A_61 = vector.multi_reduction <add>, %mul3A_60, %reduce_sum3A [1] : vector<1024x1024xf32> to vector<1024xf32>
    %swap3A = arith.constant 0 : index
    %swap3A_62 = arith.constant 0 : index
    %swap3A_63 = vector.load %arg2[%swap3A, %swap3A_62] : memref<15x1024xf32, #tpu.memory_space<vmem>>, vector<1x1024xf32>
    %swap3A_64 = vector.shape_cast %swap3A_63 : vector<1x1024xf32> to vector<1024xf32>
    %swap3A_65 = vector.shape_cast %reduce_sum3A_61 : vector<1024xf32> to vector<1x1024xf32>
    tpu.vector_store %arg2[%swap3A, %swap3A_62], %swap3A_65 {strides = array<i32>} : memref<15x1024xf32, #tpu.memory_space<vmem>>, vector<1x1024xf32>,
    %dma_start3A_66 = arith.constant 0 : i32
    %dma_start3A_67 = arith.constant 0 : i32
    %dma_start3A_68 = tpu.memref_slice %arg4[%dma_start3A_67] : memref<4x!tpu.dma_semaphore, #tpu.memory_space<semaphore_mem>> -> memref<1x!tpu.dma_semaphore, #tpu.memory_space<semaphore_mem>>
    %dma_start3A_69 = tpu.memref_squeeze %dma_start3A_68 : memref<1x!tpu.dma_semaphore, #tpu.memory_space<semaphore_mem>> -> memref<!tpu.dma_semaphore, #tpu.memory_space<semaphore_mem>>
    %dma_start3A_70 = arith.constant 0 : i32
    %dma_start3A_71 = arith.constant 0 : i32
    %dma_start3A_72 = tpu.memref_slice %arg3[%dma_start3A_66, %dma_start3A_70, %dma_start3A_71] : memref<4x1024x1024xf32, #tpu.memory_space<vmem>> -> memref<1x1024x1024xf32, #tpu.memory_space<vmem>>
    %dma_start3A_73 = tpu.memref_squeeze %dma_start3A_72 : memref<1x1024x1024xf32, #tpu.memory_space<vmem>> -> memref<1024x1024xf32, #tpu.memory_space<vmem>>
    %dma_start3A_74 = arith.constant 4096 : i32
    %dma_start3A_75 = arith.constant 0 : i32
    %dma_start3A_76 = tpu.memref_slice %arg0[%dma_start3A_74, %dma_start3A_75] : memref<16384x1024xf32, #tpu.memory_space<any>> -> memref<1024x1024xf32, #tpu.memory_space<any>>
    tpu.enqueue_dma source(%dma_start3A_76 : memref<1024x1024xf32, #tpu.memory_space<any>>) target(%dma_start3A_73 : memref<1024x1024xf32, #tpu.memory_space<vmem>>) target_semaphore(%dma_start3A_69 : memref<!tpu.dma_semaphore, #tpu.memory_space<semaphore_mem>>)
    %dma_wait3A_77 = arith.constant 1 : i32
    %dma_wait3A_78 = arith.constant 1 : i32
    %dma_wait3A_79 = tpu.memref_slice %arg4[%dma_wait3A_78] : memref<4x!tpu.dma_semaphore, #tpu.memory_space<semaphore_mem>> -> memref<1x!tpu.dma_semaphore, #tpu.memory_space<semaphore_mem>>
    %dma_wait3A_80 = tpu.memref_squeeze %dma_wait3A_79 : memref<1x!tpu.dma_semaphore, #tpu.memory_space<semaphore_mem>> -> memref<!tpu.dma_semaphore, #tpu.memory_space<semaphore_mem>>
    %dma_wait3A_81 = arith.constant 0 : i32
    %dma_wait3A_82 = arith.constant 0 : i32
    %dma_wait3A_83 = tpu.memref_slice %arg3[%dma_wait3A_77, %dma_wait3A_81, %dma_wait3A_82] : memref<4x1024x1024xf32, #tpu.memory_space<vmem>> -> memref<1x1024x1024xf32, #tpu.memory_space<vmem>>
    %dma_wait3A_84 = tpu.memref_squeeze %dma_wait3A_83 : memref<1x1024x1024xf32, #tpu.memory_space<vmem>> -> memref<1024x1024xf32, #tpu.memory_space<vmem>>
    %dma_wait3A_85 = arith.constant 1024 : i32
    %dma_wait3A_86 = arith.constant 0 : i32
    %dma_wait3A_87 = tpu.memref_slice %arg0[%dma_wait3A_85, %dma_wait3A_86] : memref<16384x1024xf32, #tpu.memory_space<any>> -> memref<1024x1024xf32, #tpu.memory_space<any>>
    tpu.wait_dma2 semaphore(%dma_wait3A_80 : memref<!tpu.dma_semaphore, #tpu.memory_space<semaphore_mem>>) src(%dma_wait3A_87 : memref<1024x1024xf32, #tpu.memory_space<any>>) dst(%dma_wait3A_84 : memref<1024x1024xf32, #tpu.memory_space<vmem>>)
    %get3A_88 = arith.constant 1 : index
    %get3A_89 = arith.constant 0 : index
    %get3A_90 = arith.constant 0 : index
    %get3A_91 = vector.load %arg3[%get3A_88, %get3A_89, %get3A_90] : memref<4x1024x1024xf32, #tpu.memory_space<vmem>>, vector<1x1024x1024xf32>
    %get3A_92 = vector.shape_cast %get3A_91 : vector<1x1024x1024xf32> to vector<1024x1024xf32>
    %mul3A_93 = vector.broadcast %get3A_44 : vector<1x1024xf32> to vector<1024x1024xf32>
    %mul3A_94 = arith.mulf %get3A_92, %mul3A_93 : vector<1024x1024xf32>
    %reduce_sum3A_95 = arith.constant dense<0.000000e+00> : vector<1024xf32>
    %reduce_sum3A_96 = vector.multi_reduction <add>, %mul3A_94, %reduce_sum3A_95 [1] : vector<1024x1024xf32> to vector<1024xf32>
    %swap3A_97 = arith.constant 1 : index
    %swap3A_98 = arith.constant 0 : index
    %swap3A_99 = vector.load %arg2[%swap3A_97, %swap3A_98] : memref<15x1024xf32, #tpu.memory_space<vmem>>, vector<1x1024xf32>
    %swap3A_100 = vector.shape_cast %swap3A_99 : vector<1x1024xf32> to vector<1024xf32>
    %swap3A_101 = vector.shape_cast %reduce_sum3A_96 : vector<1024xf32> to vector<1x1024xf32>
    tpu.vector_store %arg2[%swap3A_97, %swap3A_98], %swap3A_101 {strides = array<i32>} : memref<15x1024xf32, #tpu.memory_space<vmem>>, vector<1x1024xf32>,
    %dma_start3A_102 = arith.constant 1 : i32
    %dma_start3A_103 = arith.constant 1 : i32
    %dma_start3A_104 = tpu.memref_slice %arg4[%dma_start3A_103] : memref<4x!tpu.dma_semaphore, #tpu.memory_space<semaphore_mem>> -> memref<1x!tpu.dma_semaphore, #tpu.memory_space<semaphore_mem>>
    %dma_start3A_105 = tpu.memref_squeeze %dma_start3A_104 : memref<1x!tpu.dma_semaphore, #tpu.memory_space<semaphore_mem>> -> memref<!tpu.dma_semaphore, #tpu.memory_space<semaphore_mem>>
    %dma_start3A_106 = arith.constant 0 : i32
    %dma_start3A_107 = arith.constant 0 : i32
    %dma_start3A_108 = tpu.memref_slice %arg3[%dma_start3A_102, %dma_start3A_106, %dma_start3A_107] : memref<4x1024x1024xf32, #tpu.memory_space<vmem>> -> memref<1x1024x1024xf32, #tpu.memory_space<vmem>>
    %dma_start3A_109 = tpu.memref_squeeze %dma_start3A_108 : memref<1x1024x1024xf32, #tpu.memory_space<vmem>> -> memref<1024x1024xf32, #tpu.memory_space<vmem>>
    %dma_start3A_110 = arith.constant 5120 : i32
    %dma_start3A_111 = arith.constant 0 : i32
    %dma_start3A_112 = tpu.memref_slice %arg0[%dma_start3A_110, %dma_start3A_111] : memref<16384x1024xf32, #tpu.memory_space<any>> -> memref<1024x1024xf32, #tpu.memory_space<any>>
    tpu.enqueue_dma source(%dma_start3A_112 : memref<1024x1024xf32, #tpu.memory_space<any>>) target(%dma_start3A_109 : memref<1024x1024xf32, #tpu.memory_space<vmem>>) target_semaphore(%dma_start3A_105 : memref<!tpu.dma_semaphore, #tpu.memory_space<semaphore_mem>>)
    %dma_wait3A_113 = arith.constant 2 : i32
    %dma_wait3A_114 = arith.constant 2 : i32
    %dma_wait3A_115 = tpu.memref_slice %arg4[%dma_wait3A_114] : memref<4x!tpu.dma_semaphore, #tpu.memory_space<semaphore_mem>> -> memref<1x!tpu.dma_semaphore, #tpu.memory_space<semaphore_mem>>
    %dma_wait3A_116 = tpu.memref_squeeze %dma_wait3A_115 : memref<1x!tpu.dma_semaphore, #tpu.memory_space<semaphore_mem>> -> memref<!tpu.dma_semaphore, #tpu.memory_space<semaphore_mem>>
    %dma_wait3A_117 = arith.constant 0 : i32
    %dma_wait3A_118 = arith.constant 0 : i32
    %dma_wait3A_119 = tpu.memref_slice %arg3[%dma_wait3A_113, %dma_wait3A_117, %dma_wait3A_118] : memref<4x1024x1024xf32, #tpu.memory_space<vmem>> -> memref<1x1024x1024xf32, #tpu.memory_space<vmem>>
    %dma_wait3A_120 = tpu.memref_squeeze %dma_wait3A_119 : memref<1x1024x1024xf32, #tpu.memory_space<vmem>> -> memref<1024x1024xf32, #tpu.memory_space<vmem>>
    %dma_wait3A_121 = arith.constant 2048 : i32
    %dma_wait3A_122 = arith.constant 0 : i32
    %dma_wait3A_123 = tpu.memref_slice %arg0[%dma_wait3A_121, %dma_wait3A_122] : memref<16384x1024xf32, #tpu.memory_space<any>> -> memref<1024x1024xf32, #tpu.memory_space<any>>
    tpu.wait_dma2 semaphore(%dma_wait3A_116 : memref<!tpu.dma_semaphore, #tpu.memory_space<semaphore_mem>>) src(%dma_wait3A_123 : memref<1024x1024xf32, #tpu.memory_space<any>>) dst(%dma_wait3A_120 : memref<1024x1024xf32, #tpu.memory_space<vmem>>)
    %get3A_124 = arith.constant 2 : index
    %get3A_125 = arith.constant 0 : index
    %get3A_126 = arith.constant 0 : index
    %get3A_127 = vector.load %arg3[%get3A_124, %get3A_125, %get3A_126] : memref<4x1024x1024xf32, #tpu.memory_space<vmem>>, vector<1x1024x1024xf32>
    %get3A_128 = vector.shape_cast %get3A_127 : vector<1x1024x1024xf32> to vector<1024x1024xf32>
    %mul3A_129 = vector.broadcast %get3A_44 : vector<1x1024xf32> to vector<1024x1024xf32>
    %mul3A_130 = arith.mulf %get3A_128, %mul3A_129 : vector<1024x1024xf32>
    %reduce_sum3A_131 = arith.constant dense<0.000000e+00> : vector<1024xf32>
    %reduce_sum3A_132 = vector.multi_reduction <add>, %mul3A_130, %reduce_sum3A_131 [1] : vector<1024x1024xf32> to vector<1024xf32>
    %swap3A_133 = arith.constant 2 : index
    %swap3A_134 = arith.constant 0 : index
    %swap3A_135 = vector.load %arg2[%swap3A_133, %swap3A_134] : memref<15x1024xf32, #tpu.memory_space<vmem>>, vector<1x1024xf32>
    %swap3A_136 = vector.shape_cast %swap3A_135 : vector<1x1024xf32> to vector<1024xf32>
    %swap3A_137 = vector.shape_cast %reduce_sum3A_132 : vector<1024xf32> to vector<1x1024xf32>
    tpu.vector_store %arg2[%swap3A_133, %swap3A_134], %swap3A_137 {strides = array<i32>} : memref<15x1024xf32, #tpu.memory_space<vmem>>, vector<1x1024xf32>,
    %dma_start3A_138 = arith.constant 2 : i32
    %dma_start3A_139 = arith.constant 2 : i32
    %dma_start3A_140 = tpu.memref_slice %arg4[%dma_start3A_139] : memref<4x!tpu.dma_semaphore, #tpu.memory_space<semaphore_mem>> -> memref<1x!tpu.dma_semaphore, #tpu.memory_space<semaphore_mem>>
    %dma_start3A_141 = tpu.memref_squeeze %dma_start3A_140 : memref<1x!tpu.dma_semaphore, #tpu.memory_space<semaphore_mem>> -> memref<!tpu.dma_semaphore, #tpu.memory_space<semaphore_mem>>
    %dma_start3A_142 = arith.constant 0 : i32
    %dma_start3A_143 = arith.constant 0 : i32
    %dma_start3A_144 = tpu.memref_slice %arg3[%dma_start3A_138, %dma_start3A_142, %dma_start3A_143] : memref<4x1024x1024xf32, #tpu.memory_space<vmem>> -> memref<1x1024x1024xf32, #tpu.memory_space<vmem>>
    %dma_start3A_145 = tpu.memref_squeeze %dma_start3A_144 : memref<1x1024x1024xf32, #tpu.memory_space<vmem>> -> memref<1024x1024xf32, #tpu.memory_space<vmem>>
    %dma_start3A_146 = arith.constant 6144 : i32
    %dma_start3A_147 = arith.constant 0 : i32
    %dma_start3A_148 = tpu.memref_slice %arg0[%dma_start3A_146, %dma_start3A_147] : memref<16384x1024xf32, #tpu.memory_space<any>> -> memref<1024x1024xf32, #tpu.memory_space<any>>
    tpu.enqueue_dma source(%dma_start3A_148 : memref<1024x1024xf32, #tpu.memory_space<any>>) target(%dma_start3A_145 : memref<1024x1024xf32, #tpu.memory_space<vmem>>) target_semaphore(%dma_start3A_141 : memref<!tpu.dma_semaphore, #tpu.memory_space<semaphore_mem>>)
    %dma_wait3A_149 = arith.constant 3 : i32
    %dma_wait3A_150 = arith.constant 3 : i32
    %dma_wait3A_151 = tpu.memref_slice %arg4[%dma_wait3A_150] : memref<4x!tpu.dma_semaphore, #tpu.memory_space<semaphore_mem>> -> memref<1x!tpu.dma_semaphore, #tpu.memory_space<semaphore_mem>>
    %dma_wait3A_152 = tpu.memref_squeeze %dma_wait3A_151 : memref<1x!tpu.dma_semaphore, #tpu.memory_space<semaphore_mem>> -> memref<!tpu.dma_semaphore, #tpu.memory_space<semaphore_mem>>
    %dma_wait3A_153 = arith.constant 0 : i32
    %dma_wait3A_154 = arith.constant 0 : i32
    %dma_wait3A_155 = tpu.memref_slice %arg3[%dma_wait3A_149, %dma_wait3A_153, %dma_wait3A_154] : memref<4x1024x1024xf32, #tpu.memory_space<vmem>> -> memref<1x1024x1024xf32, #tpu.memory_space<vmem>>
    %dma_wait3A_156 = tpu.memref_squeeze %dma_wait3A_155 : memref<1x1024x1024xf32, #tpu.memory_space<vmem>> -> memref<1024x1024xf32, #tpu.memory_space<vmem>>
    %dma_wait3A_157 = arith.constant 3072 : i32
    %dma_wait3A_158 = arith.constant 0 : i32
    %dma_wait3A_159 = tpu.memref_slice %arg0[%dma_wait3A_157, %dma_wait3A_158] : memref<16384x1024xf32, #tpu.memory_space<any>> -> memref<1024x1024xf32, #tpu.memory_space<any>>
    tpu.wait_dma2 semaphore(%dma_wait3A_152 : memref<!tpu.dma_semaphore, #tpu.memory_space<semaphore_mem>>) src(%dma_wait3A_159 : memref<1024x1024xf32, #tpu.memory_space<any>>) dst(%dma_wait3A_156 : memref<1024x1024xf32, #tpu.memory_space<vmem>>)
    %get3A_160 = arith.constant 3 : index
    %get3A_161 = arith.constant 0 : index
    %get3A_162 = arith.constant 0 : index
    %get3A_163 = vector.load %arg3[%get3A_160, %get3A_161, %get3A_162] : memref<4x1024x1024xf32, #tpu.memory_space<vmem>>, vector<1x1024x1024xf32>
    %get3A_164 = vector.shape_cast %get3A_163 : vector<1x1024x1024xf32> to vector<1024x1024xf32>
    %mul3A_165 = vector.broadcast %get3A_44 : vector<1x1024xf32> to vector<1024x1024xf32>
    %mul3A_166 = arith.mulf %get3A_164, %mul3A_165 : vector<1024x1024xf32>
    %reduce_sum3A_167 = arith.constant dense<0.000000e+00> : vector<1024xf32>
    %reduce_sum3A_168 = vector.multi_reduction <add>, %mul3A_166, %reduce_sum3A_167 [1] : vector<1024x1024xf32> to vector<1024xf32>
    %swap3A_169 = arith.constant 3 : index
    %swap3A_170 = arith.constant 0 : index
    %swap3A_171 = vector.load %arg2[%swap3A_169, %swap3A_170] : memref<15x1024xf32, #tpu.memory_space<vmem>>, vector<1x1024xf32>
    %swap3A_172 = vector.shape_cast %swap3A_171 : vector<1x1024xf32> to vector<1024xf32>
    %swap3A_173 = vector.shape_cast %reduce_sum3A_168 : vector<1024xf32> to vector<1x1024xf32>
    tpu.vector_store %arg2[%swap3A_169, %swap3A_170], %swap3A_173 {strides = array<i32>} : memref<15x1024xf32, #tpu.memory_space<vmem>>, vector<1x1024xf32>,
    %dma_start3A_174 = arith.constant 3 : i32
    %dma_start3A_175 = arith.constant 3 : i32
    %dma_start3A_176 = tpu.memref_slice %arg4[%dma_start3A_175] : memref<4x!tpu.dma_semaphore, #tpu.memory_space<semaphore_mem>> -> memref<1x!tpu.dma_semaphore, #tpu.memory_space<semaphore_mem>>
    %dma_start3A_177 = tpu.memref_squeeze %dma_start3A_176 : memref<1x!tpu.dma_semaphore, #tpu.memory_space<semaphore_mem>> -> memref<!tpu.dma_semaphore, #tpu.memory_space<semaphore_mem>>
    %dma_start3A_178 = arith.constant 0 : i32
    %dma_start3A_179 = arith.constant 0 : i32
    %dma_start3A_180 = tpu.memref_slice %arg3[%dma_start3A_174, %dma_start3A_178, %dma_start3A_179] : memref<4x1024x1024xf32, #tpu.memory_space<vmem>> -> memref<1x1024x1024xf32, #tpu.memory_space<vmem>>
    %dma_start3A_181 = tpu.memref_squeeze %dma_start3A_180 : memref<1x1024x1024xf32, #tpu.memory_space<vmem>> -> memref<1024x1024xf32, #tpu.memory_space<vmem>>
    %dma_start3A_182 = arith.constant 7168 : i32
    %dma_start3A_183 = arith.constant 0 : i32
    %dma_start3A_184 = tpu.memref_slice %arg0[%dma_start3A_182, %dma_start3A_183] : memref<16384x1024xf32, #tpu.memory_space<any>> -> memref<1024x1024xf32, #tpu.memory_space<any>>
    tpu.enqueue_dma source(%dma_start3A_184 : memref<1024x1024xf32, #tpu.memory_space<any>>) target(%dma_start3A_181 : memref<1024x1024xf32, #tpu.memory_space<vmem>>) target_semaphore(%dma_start3A_177 : memref<!tpu.dma_semaphore, #tpu.memory_space<semaphore_mem>>)
    %dma_wait3A_185 = arith.constant 0 : i32
    %dma_wait3A_186 = arith.constant 0 : i32
    %dma_wait3A_187 = tpu.memref_slice %arg4[%dma_wait3A_186] : memref<4x!tpu.dma_semaphore, #tpu.memory_space<semaphore_mem>> -> memref<1x!tpu.dma_semaphore, #tpu.memory_space<semaphore_mem>>
    %dma_wait3A_188 = tpu.memref_squeeze %dma_wait3A_187 : memref<1x!tpu.dma_semaphore, #tpu.memory_space<semaphore_mem>> -> memref<!tpu.dma_semaphore, #tpu.memory_space<semaphore_mem>>
    %dma_wait3A_189 = arith.constant 0 : i32
    %dma_wait3A_190 = arith.constant 0 : i32
    %dma_wait3A_191 = tpu.memref_slice %arg3[%dma_wait3A_185, %dma_wait3A_189, %dma_wait3A_190] : memref<4x1024x1024xf32, #tpu.memory_space<vmem>> -> memref<1x1024x1024xf32, #tpu.memory_space<vmem>>
    %dma_wait3A_192 = tpu.memref_squeeze %dma_wait3A_191 : memref<1x1024x1024xf32, #tpu.memory_space<vmem>> -> memref<1024x1024xf32, #tpu.memory_space<vmem>>
    %dma_wait3A_193 = arith.constant 4096 : i32
    %dma_wait3A_194 = arith.constant 0 : i32
    %dma_wait3A_195 = tpu.memref_slice %arg0[%dma_wait3A_193, %dma_wait3A_194] : memref<16384x1024xf32, #tpu.memory_space<any>> -> memref<1024x1024xf32, #tpu.memory_space<any>>
    tpu.wait_dma2 semaphore(%dma_wait3A_188 : memref<!tpu.dma_semaphore, #tpu.memory_space<semaphore_mem>>) src(%dma_wait3A_195 : memref<1024x1024xf32, #tpu.memory_space<any>>) dst(%dma_wait3A_192 : memref<1024x1024xf32, #tpu.memory_space<vmem>>)
    %get3A_196 = arith.constant 0 : index
    %get3A_197 = arith.constant 0 : index
    %get3A_198 = arith.constant 0 : index
    %get3A_199 = vector.load %arg3[%get3A_196, %get3A_197, %get3A_198] : memref<4x1024x1024xf32, #tpu.memory_space<vmem>>, vector<1x1024x1024xf32>
    %get3A_200 = vector.shape_cast %get3A_199 : vector<1x1024x1024xf32> to vector<1024x1024xf32>
    %mul3A_201 = vector.broadcast %get3A_44 : vector<1x1024xf32> to vector<1024x1024xf32>
    %mul3A_202 = arith.mulf %get3A_200, %mul3A_201 : vector<1024x1024xf32>
    %reduce_sum3A_203 = arith.constant dense<0.000000e+00> : vector<1024xf32>
    %reduce_sum3A_204 = vector.multi_reduction <add>, %mul3A_202, %reduce_sum3A_203 [1] : vector<1024x1024xf32> to vector<1024xf32>
    %swap3A_205 = arith.constant 4 : index
    %swap3A_206 = arith.constant 0 : index
    %swap3A_207 = vector.load %arg2[%swap3A_205, %swap3A_206] : memref<15x1024xf32, #tpu.memory_space<vmem>>, vector<1x1024xf32>
    %swap3A_208 = vector.shape_cast %swap3A_207 : vector<1x1024xf32> to vector<1024xf32>
    %swap3A_209 = vector.shape_cast %reduce_sum3A_204 : vector<1024xf32> to vector<1x1024xf32>
    tpu.vector_store %arg2[%swap3A_205, %swap3A_206], %swap3A_209 {strides = array<i32>} : memref<15x1024xf32, #tpu.memory_space<vmem>>, vector<1x1024xf32>,
    %dma_start3A_210 = arith.constant 0 : i32
    %dma_start3A_211 = arith.constant 0 : i32
    %dma_start3A_212 = tpu.memref_slice %arg4[%dma_start3A_211] : memref<4x!tpu.dma_semaphore, #tpu.memory_space<semaphore_mem>> -> memref<1x!tpu.dma_semaphore, #tpu.memory_space<semaphore_mem>>
    %dma_start3A_213 = tpu.memref_squeeze %dma_start3A_212 : memref<1x!tpu.dma_semaphore, #tpu.memory_space<semaphore_mem>> -> memref<!tpu.dma_semaphore, #tpu.memory_space<semaphore_mem>>
    %dma_start3A_214 = arith.constant 0 : i32
    %dma_start3A_215 = arith.constant 0 : i32
    %dma_start3A_216 = tpu.memref_slice %arg3[%dma_start3A_210, %dma_start3A_214, %dma_start3A_215] : memref<4x1024x1024xf32, #tpu.memory_space<vmem>> -> memref<1x1024x1024xf32, #tpu.memory_space<vmem>>
    %dma_start3A_217 = tpu.memref_squeeze %dma_start3A_216 : memref<1x1024x1024xf32, #tpu.memory_space<vmem>> -> memref<1024x1024xf32, #tpu.memory_space<vmem>>
    %dma_start3A_218 = arith.constant 8192 : i32
    %dma_start3A_219 = arith.constant 0 : i32
    %dma_start3A_220 = tpu.memref_slice %arg0[%dma_start3A_218, %dma_start3A_219] : memref<16384x1024xf32, #tpu.memory_space<any>> -> memref<1024x1024xf32, #tpu.memory_space<any>>
    tpu.enqueue_dma source(%dma_start3A_220 : memref<1024x1024xf32, #tpu.memory_space<any>>) target(%dma_start3A_217 : memref<1024x1024xf32, #tpu.memory_space<vmem>>) target_semaphore(%dma_start3A_213 : memref<!tpu.dma_semaphore, #tpu.memory_space<semaphore_mem>>)
    %dma_wait3A_221 = arith.constant 1 : i32
    %dma_wait3A_222 = arith.constant 1 : i32
    %dma_wait3A_223 = tpu.memref_slice %arg4[%dma_wait3A_222] : memref<4x!tpu.dma_semaphore, #tpu.memory_space<semaphore_mem>> -> memref<1x!tpu.dma_semaphore, #tpu.memory_space<semaphore_mem>>
    %dma_wait3A_224 = tpu.memref_squeeze %dma_wait3A_223 : memref<1x!tpu.dma_semaphore, #tpu.memory_space<semaphore_mem>> -> memref<!tpu.dma_semaphore, #tpu.memory_space<semaphore_mem>>
    %dma_wait3A_225 = arith.constant 0 : i32
    %dma_wait3A_226 = arith.constant 0 : i32
    %dma_wait3A_227 = tpu.memref_slice %arg3[%dma_wait3A_221, %dma_wait3A_225, %dma_wait3A_226] : memref<4x1024x1024xf32, #tpu.memory_space<vmem>> -> memref<1x1024x1024xf32, #tpu.memory_space<vmem>>
    %dma_wait3A_228 = tpu.memref_squeeze %dma_wait3A_227 : memref<1x1024x1024xf32, #tpu.memory_space<vmem>> -> memref<1024x1024xf32, #tpu.memory_space<vmem>>
    %dma_wait3A_229 = arith.constant 5120 : i32
    %dma_wait3A_230 = arith.constant 0 : i32
    %dma_wait3A_231 = tpu.memref_slice %arg0[%dma_wait3A_229, %dma_wait3A_230] : memref<16384x1024xf32, #tpu.memory_space<any>> -> memref<1024x1024xf32, #tpu.memory_space<any>>
    tpu.wait_dma2 semaphore(%dma_wait3A_224 : memref<!tpu.dma_semaphore, #tpu.memory_space<semaphore_mem>>) src(%dma_wait3A_231 : memref<1024x1024xf32, #tpu.memory_space<any>>) dst(%dma_wait3A_228 : memref<1024x1024xf32, #tpu.memory_space<vmem>>)
    %get3A_232 = arith.constant 1 : index
    %get3A_233 = arith.constant 0 : index
    %get3A_234 = arith.constant 0 : index
    %get3A_235 = vector.load %arg3[%get3A_232, %get3A_233, %get3A_234] : memref<4x1024x1024xf32, #tpu.memory_space<vmem>>, vector<1x1024x1024xf32>
    %get3A_236 = vector.shape_cast %get3A_235 : vector<1x1024x1024xf32> to vector<1024x1024xf32>
    %mul3A_237 = vector.broadcast %get3A_44 : vector<1x1024xf32> to vector<1024x1024xf32>
    %mul3A_238 = arith.mulf %get3A_236, %mul3A_237 : vector<1024x1024xf32>
    %reduce_sum3A_239 = arith.constant dense<0.000000e+00> : vector<1024xf32>
    %reduce_sum3A_240 = vector.multi_reduction <add>, %mul3A_238, %reduce_sum3A_239 [1] : vector<1024x1024xf32> to vector<1024xf32>
    %swap3A_241 = arith.constant 5 : index
    %swap3A_242 = arith.constant 0 : index
    %swap3A_243 = vector.load %arg2[%swap3A_241, %swap3A_242] : memref<15x1024xf32, #tpu.memory_space<vmem>>, vector<1x1024xf32>
    %swap3A_244 = vector.shape_cast %swap3A_243 : vector<1x1024xf32> to vector<1024xf32>
    %swap3A_245 = vector.shape_cast %reduce_sum3A_240 : vector<1024xf32> to vector<1x1024xf32>
    tpu.vector_store %arg2[%swap3A_241, %swap3A_242], %swap3A_245 {strides = array<i32>} : memref<15x1024xf32, #tpu.memory_space<vmem>>, vector<1x1024xf32>,
    %dma_start3A_246 = arith.constant 1 : i32
    %dma_start3A_247 = arith.constant 1 : i32
    %dma_start3A_248 = tpu.memref_slice %arg4[%dma_start3A_247] : memref<4x!tpu.dma_semaphore, #tpu.memory_space<semaphore_mem>> -> memref<1x!tpu.dma_semaphore, #tpu.memory_space<semaphore_mem>>
    %dma_start3A_249 = tpu.memref_squeeze %dma_start3A_248 : memref<1x!tpu.dma_semaphore, #tpu.memory_space<semaphore_mem>> -> memref<!tpu.dma_semaphore, #tpu.memory_space<semaphore_mem>>
    %dma_start3A_250 = arith.constant 0 : i32
    %dma_start3A_251 = arith.constant 0 : i32
    %dma_start3A_252 = tpu.memref_slice %arg3[%dma_start3A_246, %dma_start3A_250, %dma_start3A_251] : memref<4x1024x1024xf32, #tpu.memory_space<vmem>> -> memref<1x1024x1024xf32, #tpu.memory_space<vmem>>
    %dma_start3A_253 = tpu.memref_squeeze %dma_start3A_252 : memref<1x1024x1024xf32, #tpu.memory_space<vmem>> -> memref<1024x1024xf32, #tpu.memory_space<vmem>>
    %dma_start3A_254 = arith.constant 9216 : i32
    %dma_start3A_255 = arith.constant 0 : i32
    %dma_start3A_256 = tpu.memref_slice %arg0[%dma_start3A_254, %dma_start3A_255] : memref<16384x1024xf32, #tpu.memory_space<any>> -> memref<1024x1024xf32, #tpu.memory_space<any>>
    tpu.enqueue_dma source(%dma_start3A_256 : memref<1024x1024xf32, #tpu.memory_space<any>>) target(%dma_start3A_253 : memref<1024x1024xf32, #tpu.memory_space<vmem>>) target_semaphore(%dma_start3A_249 : memref<!tpu.dma_semaphore, #tpu.memory_space<semaphore_mem>>)
    %dma_wait3A_257 = arith.constant 2 : i32
    %dma_wait3A_258 = arith.constant 2 : i32
    %dma_wait3A_259 = tpu.memref_slice %arg4[%dma_wait3A_258] : memref<4x!tpu.dma_semaphore, #tpu.memory_space<semaphore_mem>> -> memref<1x!tpu.dma_semaphore, #tpu.memory_space<semaphore_mem>>
    %dma_wait3A_260 = tpu.memref_squeeze %dma_wait3A_259 : memref<1x!tpu.dma_semaphore, #tpu.memory_space<semaphore_mem>> -> memref<!tpu.dma_semaphore, #tpu.memory_space<semaphore_mem>>
    %dma_wait3A_261 = arith.constant 0 : i32
    %dma_wait3A_262 = arith.constant 0 : i32
    %dma_wait3A_263 = tpu.memref_slice %arg3[%dma_wait3A_257, %dma_wait3A_261, %dma_wait3A_262] : memref<4x1024x1024xf32, #tpu.memory_space<vmem>> -> memref<1x1024x1024xf32, #tpu.memory_space<vmem>>
    %dma_wait3A_264 = tpu.memref_squeeze %dma_wait3A_263 : memref<1x1024x1024xf32, #tpu.memory_space<vmem>> -> memref<1024x1024xf32, #tpu.memory_space<vmem>>
    %dma_wait3A_265 = arith.constant 6144 : i32
    %dma_wait3A_266 = arith.constant 0 : i32
    %dma_wait3A_267 = tpu.memref_slice %arg0[%dma_wait3A_265, %dma_wait3A_266] : memref<16384x1024xf32, #tpu.memory_space<any>> -> memref<1024x1024xf32, #tpu.memory_space<any>>
    tpu.wait_dma2 semaphore(%dma_wait3A_260 : memref<!tpu.dma_semaphore, #tpu.memory_space<semaphore_mem>>) src(%dma_wait3A_267 : memref<1024x1024xf32, #tpu.memory_space<any>>) dst(%dma_wait3A_264 : memref<1024x1024xf32, #tpu.memory_space<vmem>>)
    %get3A_268 = arith.constant 2 : index
    %get3A_269 = arith.constant 0 : index
    %get3A_270 = arith.constant 0 : index
    %get3A_271 = vector.load %arg3[%get3A_268, %get3A_269, %get3A_270] : memref<4x1024x1024xf32, #tpu.memory_space<vmem>>, vector<1x1024x1024xf32>
    %get3A_272 = vector.shape_cast %get3A_271 : vector<1x1024x1024xf32> to vector<1024x1024xf32>
    %mul3A_273 = vector.broadcast %get3A_44 : vector<1x1024xf32> to vector<1024x1024xf32>
    %mul3A_274 = arith.mulf %get3A_272, %mul3A_273 : vector<1024x1024xf32>
    %reduce_sum3A_275 = arith.constant dense<0.000000e+00> : vector<1024xf32>
    %reduce_sum3A_276 = vector.multi_reduction <add>, %mul3A_274, %reduce_sum3A_275 [1] : vector<1024x1024xf32> to vector<1024xf32>
    %swap3A_277 = arith.constant 6 : index
    %swap3A_278 = arith.constant 0 : index
    %swap3A_279 = vector.load %arg2[%swap3A_277, %swap3A_278] : memref<15x1024xf32, #tpu.memory_space<vmem>>, vector<1x1024xf32>
    %swap3A_280 = vector.shape_cast %swap3A_279 : vector<1x1024xf32> to vector<1024xf32>
    %swap3A_281 = vector.shape_cast %reduce_sum3A_276 : vector<1024xf32> to vector<1x1024xf32>
    tpu.vector_store %arg2[%swap3A_277, %swap3A_278], %swap3A_281 {strides = array<i32>} : memref<15x1024xf32, #tpu.memory_space<vmem>>, vector<1x1024xf32>,
    %dma_start3A_282 = arith.constant 2 : i32
    %dma_start3A_283 = arith.constant 2 : i32
    %dma_start3A_284 = tpu.memref_slice %arg4[%dma_start3A_283] : memref<4x!tpu.dma_semaphore, #tpu.memory_space<semaphore_mem>> -> memref<1x!tpu.dma_semaphore, #tpu.memory_space<semaphore_mem>>
    %dma_start3A_285 = tpu.memref_squeeze %dma_start3A_284 : memref<1x!tpu.dma_semaphore, #tpu.memory_space<semaphore_mem>> -> memref<!tpu.dma_semaphore, #tpu.memory_space<semaphore_mem>>
    %dma_start3A_286 = arith.constant 0 : i32
    %dma_start3A_287 = arith.constant 0 : i32
    %dma_start3A_288 = tpu.memref_slice %arg3[%dma_start3A_282, %dma_start3A_286, %dma_start3A_287] : memref<4x1024x1024xf32, #tpu.memory_space<vmem>> -> memref<1x1024x1024xf32, #tpu.memory_space<vmem>>
    %dma_start3A_289 = tpu.memref_squeeze %dma_start3A_288 : memref<1x1024x1024xf32, #tpu.memory_space<vmem>> -> memref<1024x1024xf32, #tpu.memory_space<vmem>>
    %dma_start3A_290 = arith.constant 10240 : i32
    %dma_start3A_291 = arith.constant 0 : i32
    %dma_start3A_292 = tpu.memref_slice %arg0[%dma_start3A_290, %dma_start3A_291] : memref<16384x1024xf32, #tpu.memory_space<any>> -> memref<1024x1024xf32, #tpu.memory_space<any>>
    tpu.enqueue_dma source(%dma_start3A_292 : memref<1024x1024xf32, #tpu.memory_space<any>>) target(%dma_start3A_289 : memref<1024x1024xf32, #tpu.memory_space<vmem>>) target_semaphore(%dma_start3A_285 : memref<!tpu.dma_semaphore, #tpu.memory_space<semaphore_mem>>)
    %dma_wait3A_293 = arith.constant 3 : i32
    %dma_wait3A_294 = arith.constant 3 : i32
    %dma_wait3A_295 = tpu.memref_slice %arg4[%dma_wait3A_294] : memref<4x!tpu.dma_semaphore, #tpu.memory_space<semaphore_mem>> -> memref<1x!tpu.dma_semaphore, #tpu.memory_space<semaphore_mem>>
    %dma_wait3A_296 = tpu.memref_squeeze %dma_wait3A_295 : memref<1x!tpu.dma_semaphore, #tpu.memory_space<semaphore_mem>> -> memref<!tpu.dma_semaphore, #tpu.memory_space<semaphore_mem>>
    %dma_wait3A_297 = arith.constant 0 : i32
    %dma_wait3A_298 = arith.constant 0 : i32
    %dma_wait3A_299 = tpu.memref_slice %arg3[%dma_wait3A_293, %dma_wait3A_297, %dma_wait3A_298] : memref<4x1024x1024xf32, #tpu.memory_space<vmem>> -> memref<1x1024x1024xf32, #tpu.memory_space<vmem>>
    %dma_wait3A_300 = tpu.memref_squeeze %dma_wait3A_299 : memref<1x1024x1024xf32, #tpu.memory_space<vmem>> -> memref<1024x1024xf32, #tpu.memory_space<vmem>>
    %dma_wait3A_301 = arith.constant 7168 : i32
    %dma_wait3A_302 = arith.constant 0 : i32
    %dma_wait3A_303 = tpu.memref_slice %arg0[%dma_wait3A_301, %dma_wait3A_302] : memref<16384x1024xf32, #tpu.memory_space<any>> -> memref<1024x1024xf32, #tpu.memory_space<any>>
    tpu.wait_dma2 semaphore(%dma_wait3A_296 : memref<!tpu.dma_semaphore, #tpu.memory_space<semaphore_mem>>) src(%dma_wait3A_303 : memref<1024x1024xf32, #tpu.memory_space<any>>) dst(%dma_wait3A_300 : memref<1024x1024xf32, #tpu.memory_space<vmem>>)
    %get3A_304 = arith.constant 3 : index
    %get3A_305 = arith.constant 0 : index
    %get3A_306 = arith.constant 0 : index
    %get3A_307 = vector.load %arg3[%get3A_304, %get3A_305, %get3A_306] : memref<4x1024x1024xf32, #tpu.memory_space<vmem>>, vector<1x1024x1024xf32>
    %get3A_308 = vector.shape_cast %get3A_307 : vector<1x1024x1024xf32> to vector<1024x1024xf32>
    %mul3A_309 = vector.broadcast %get3A_44 : vector<1x1024xf32> to vector<1024x1024xf32>
    %mul3A_310 = arith.mulf %get3A_308, %mul3A_309 : vector<1024x1024xf32>
    %reduce_sum3A_311 = arith.constant dense<0.000000e+00> : vector<1024xf32>
    %reduce_sum3A_312 = vector.multi_reduction <add>, %mul3A_310, %reduce_sum3A_311 [1] : vector<1024x1024xf32> to vector<1024xf32>
    %swap3A_313 = arith.constant 7 : index
    %swap3A_314 = arith.constant 0 : index
    %swap3A_315 = vector.load %arg2[%swap3A_313, %swap3A_314] : memref<15x1024xf32, #tpu.memory_space<vmem>>, vector<1x1024xf32>
    %swap3A_316 = vector.shape_cast %swap3A_315 : vector<1x1024xf32> to vector<1024xf32>
    %swap3A_317 = vector.shape_cast %reduce_sum3A_312 : vector<1024xf32> to vector<1x1024xf32>
    tpu.vector_store %arg2[%swap3A_313, %swap3A_314], %swap3A_317 {strides = array<i32>} : memref<15x1024xf32, #tpu.memory_space<vmem>>, vector<1x1024xf32>,
    %dma_start3A_318 = arith.constant 3 : i32
    %dma_start3A_319 = arith.constant 3 : i32
    %dma_start3A_320 = tpu.memref_slice %arg4[%dma_start3A_319] : memref<4x!tpu.dma_semaphore, #tpu.memory_space<semaphore_mem>> -> memref<1x!tpu.dma_semaphore, #tpu.memory_space<semaphore_mem>>
    %dma_start3A_321 = tpu.memref_squeeze %dma_start3A_320 : memref<1x!tpu.dma_semaphore, #tpu.memory_space<semaphore_mem>> -> memref<!tpu.dma_semaphore, #tpu.memory_space<semaphore_mem>>
    %dma_start3A_322 = arith.constant 0 : i32
    %dma_start3A_323 = arith.constant 0 : i32
    %dma_start3A_324 = tpu.memref_slice %arg3[%dma_start3A_318, %dma_start3A_322, %dma_start3A_323] : memref<4x1024x1024xf32, #tpu.memory_space<vmem>> -> memref<1x1024x1024xf32, #tpu.memory_space<vmem>>
    %dma_start3A_325 = tpu.memref_squeeze %dma_start3A_324 : memref<1x1024x1024xf32, #tpu.memory_space<vmem>> -> memref<1024x1024xf32, #tpu.memory_space<vmem>>
    %dma_start3A_326 = arith.constant 11264 : i32
    %dma_start3A_327 = arith.constant 0 : i32
    %dma_start3A_328 = tpu.memref_slice %arg0[%dma_start3A_326, %dma_start3A_327] : memref<16384x1024xf32, #tpu.memory_space<any>> -> memref<1024x1024xf32, #tpu.memory_space<any>>
    tpu.enqueue_dma source(%dma_start3A_328 : memref<1024x1024xf32, #tpu.memory_space<any>>) target(%dma_start3A_325 : memref<1024x1024xf32, #tpu.memory_space<vmem>>) target_semaphore(%dma_start3A_321 : memref<!tpu.dma_semaphore, #tpu.memory_space<semaphore_mem>>)
    %dma_wait3A_329 = arith.constant 0 : i32
    %dma_wait3A_330 = arith.constant 0 : i32
    %dma_wait3A_331 = tpu.memref_slice %arg4[%dma_wait3A_330] : memref<4x!tpu.dma_semaphore, #tpu.memory_space<semaphore_mem>> -> memref<1x!tpu.dma_semaphore, #tpu.memory_space<semaphore_mem>>
    %dma_wait3A_332 = tpu.memref_squeeze %dma_wait3A_331 : memref<1x!tpu.dma_semaphore, #tpu.memory_space<semaphore_mem>> -> memref<!tpu.dma_semaphore, #tpu.memory_space<semaphore_mem>>
    %dma_wait3A_333 = arith.constant 0 : i32
    %dma_wait3A_334 = arith.constant 0 : i32
    %dma_wait3A_335 = tpu.memref_slice %arg3[%dma_wait3A_329, %dma_wait3A_333, %dma_wait3A_334] : memref<4x1024x1024xf32, #tpu.memory_space<vmem>> -> memref<1x1024x1024xf32, #tpu.memory_space<vmem>>
    %dma_wait3A_336 = tpu.memref_squeeze %dma_wait3A_335 : memref<1x1024x1024xf32, #tpu.memory_space<vmem>> -> memref<1024x1024xf32, #tpu.memory_space<vmem>>
    %dma_wait3A_337 = arith.constant 8192 : i32
    %dma_wait3A_338 = arith.constant 0 : i32
    %dma_wait3A_339 = tpu.memref_slice %arg0[%dma_wait3A_337, %dma_wait3A_338] : memref<16384x1024xf32, #tpu.memory_space<any>> -> memref<1024x1024xf32, #tpu.memory_space<any>>
    tpu.wait_dma2 semaphore(%dma_wait3A_332 : memref<!tpu.dma_semaphore, #tpu.memory_space<semaphore_mem>>) src(%dma_wait3A_339 : memref<1024x1024xf32, #tpu.memory_space<any>>) dst(%dma_wait3A_336 : memref<1024x1024xf32, #tpu.memory_space<vmem>>)
    %get3A_340 = arith.constant 0 : index
    %get3A_341 = arith.constant 0 : index
    %get3A_342 = arith.constant 0 : index
    %get3A_343 = vector.load %arg3[%get3A_340, %get3A_341, %get3A_342] : memref<4x1024x1024xf32, #tpu.memory_space<vmem>>, vector<1x1024x1024xf32>
    %get3A_344 = vector.shape_cast %get3A_343 : vector<1x1024x1024xf32> to vector<1024x1024xf32>
    %mul3A_345 = vector.broadcast %get3A_44 : vector<1x1024xf32> to vector<1024x1024xf32>
    %mul3A_346 = arith.mulf %get3A_344, %mul3A_345 : vector<1024x1024xf32>
    %reduce_sum3A_347 = arith.constant dense<0.000000e+00> : vector<1024xf32>
    %reduce_sum3A_348 = vector.multi_reduction <add>, %mul3A_346, %reduce_sum3A_347 [1] : vector<1024x1024xf32> to vector<1024xf32>
    %swap3A_349 = arith.constant 8 : index
    %swap3A_350 = arith.constant 0 : index
    %swap3A_351 = vector.load %arg2[%swap3A_349, %swap3A_350] : memref<15x1024xf32, #tpu.memory_space<vmem>>, vector<1x1024xf32>
    %swap3A_352 = vector.shape_cast %swap3A_351 : vector<1x1024xf32> to vector<1024xf32>
    %swap3A_353 = vector.shape_cast %reduce_sum3A_348 : vector<1024xf32> to vector<1x1024xf32>
    tpu.vector_store %arg2[%swap3A_349, %swap3A_350], %swap3A_353 {strides = array<i32>} : memref<15x1024xf32, #tpu.memory_space<vmem>>, vector<1x1024xf32>,
    %dma_start3A_354 = arith.constant 0 : i32
    %dma_start3A_355 = arith.constant 0 : i32
    %dma_start3A_356 = tpu.memref_slice %arg4[%dma_start3A_355] : memref<4x!tpu.dma_semaphore, #tpu.memory_space<semaphore_mem>> -> memref<1x!tpu.dma_semaphore, #tpu.memory_space<semaphore_mem>>
    %dma_start3A_357 = tpu.memref_squeeze %dma_start3A_356 : memref<1x!tpu.dma_semaphore, #tpu.memory_space<semaphore_mem>> -> memref<!tpu.dma_semaphore, #tpu.memory_space<semaphore_mem>>
    %dma_start3A_358 = arith.constant 0 : i32
    %dma_start3A_359 = arith.constant 0 : i32
    %dma_start3A_360 = tpu.memref_slice %arg3[%dma_start3A_354, %dma_start3A_358, %dma_start3A_359] : memref<4x1024x1024xf32, #tpu.memory_space<vmem>> -> memref<1x1024x1024xf32, #tpu.memory_space<vmem>>
    %dma_start3A_361 = tpu.memref_squeeze %dma_start3A_360 : memref<1x1024x1024xf32, #tpu.memory_space<vmem>> -> memref<1024x1024xf32, #tpu.memory_space<vmem>>
    %dma_start3A_362 = arith.constant 12288 : i32
    %dma_start3A_363 = arith.constant 0 : i32
    %dma_start3A_364 = tpu.memref_slice %arg0[%dma_start3A_362, %dma_start3A_363] : memref<16384x1024xf32, #tpu.memory_space<any>> -> memref<1024x1024xf32, #tpu.memory_space<any>>
    tpu.enqueue_dma source(%dma_start3A_364 : memref<1024x1024xf32, #tpu.memory_space<any>>) target(%dma_start3A_361 : memref<1024x1024xf32, #tpu.memory_space<vmem>>) target_semaphore(%dma_start3A_357 : memref<!tpu.dma_semaphore, #tpu.memory_space<semaphore_mem>>)
    %dma_wait3A_365 = arith.constant 1 : i32
    %dma_wait3A_366 = arith.constant 1 : i32
    %dma_wait3A_367 = tpu.memref_slice %arg4[%dma_wait3A_366] : memref<4x!tpu.dma_semaphore, #tpu.memory_space<semaphore_mem>> -> memref<1x!tpu.dma_semaphore, #tpu.memory_space<semaphore_mem>>
    %dma_wait3A_368 = tpu.memref_squeeze %dma_wait3A_367 : memref<1x!tpu.dma_semaphore, #tpu.memory_space<semaphore_mem>> -> memref<!tpu.dma_semaphore, #tpu.memory_space<semaphore_mem>>
    %dma_wait3A_369 = arith.constant 0 : i32
    %dma_wait3A_370 = arith.constant 0 : i32
    %dma_wait3A_371 = tpu.memref_slice %arg3[%dma_wait3A_365, %dma_wait3A_369, %dma_wait3A_370] : memref<4x1024x1024xf32, #tpu.memory_space<vmem>> -> memref<1x1024x1024xf32, #tpu.memory_space<vmem>>
    %dma_wait3A_372 = tpu.memref_squeeze %dma_wait3A_371 : memref<1x1024x1024xf32, #tpu.memory_space<vmem>> -> memref<1024x1024xf32, #tpu.memory_space<vmem>>
    %dma_wait3A_373 = arith.constant 9216 : i32
    %dma_wait3A_374 = arith.constant 0 : i32
    %dma_wait3A_375 = tpu.memref_slice %arg0[%dma_wait3A_373, %dma_wait3A_374] : memref<16384x1024xf32, #tpu.memory_space<any>> -> memref<1024x1024xf32, #tpu.memory_space<any>>
    tpu.wait_dma2 semaphore(%dma_wait3A_368 : memref<!tpu.dma_semaphore, #tpu.memory_space<semaphore_mem>>) src(%dma_wait3A_375 : memref<1024x1024xf32, #tpu.memory_space<any>>) dst(%dma_wait3A_372 : memref<1024x1024xf32, #tpu.memory_space<vmem>>)
    %get3A_376 = arith.constant 1 : index
    %get3A_377 = arith.constant 0 : index
    %get3A_378 = arith.constant 0 : index
    %get3A_379 = vector.load %arg3[%get3A_376, %get3A_377, %get3A_378] : memref<4x1024x1024xf32, #tpu.memory_space<vmem>>, vector<1x1024x1024xf32>
    %get3A_380 = vector.shape_cast %get3A_379 : vector<1x1024x1024xf32> to vector<1024x1024xf32>
    %mul3A_381 = vector.broadcast %get3A_44 : vector<1x1024xf32> to vector<1024x1024xf32>
    %mul3A_382 = arith.mulf %get3A_380, %mul3A_381 : vector<1024x1024xf32>
    %reduce_sum3A_383 = arith.constant dense<0.000000e+00> : vector<1024xf32>
    %reduce_sum3A_384 = vector.multi_reduction <add>, %mul3A_382, %reduce_sum3A_383 [1] : vector<1024x1024xf32> to vector<1024xf32>
    %swap3A_385 = arith.constant 9 : index
    %swap3A_386 = arith.constant 0 : index
    %swap3A_387 = vector.load %arg2[%swap3A_385, %swap3A_386] : memref<15x1024xf32, #tpu.memory_space<vmem>>, vector<1x1024xf32>
    %swap3A_388 = vector.shape_cast %swap3A_387 : vector<1x1024xf32> to vector<1024xf32>
    %swap3A_389 = vector.shape_cast %reduce_sum3A_384 : vector<1024xf32> to vector<1x1024xf32>
    tpu.vector_store %arg2[%swap3A_385, %swap3A_386], %swap3A_389 {strides = array<i32>} : memref<15x1024xf32, #tpu.memory_space<vmem>>, vector<1x1024xf32>,
    %dma_start3A_390 = arith.constant 1 : i32
    %dma_start3A_391 = arith.constant 1 : i32
    %dma_start3A_392 = tpu.memref_slice %arg4[%dma_start3A_391] : memref<4x!tpu.dma_semaphore, #tpu.memory_space<semaphore_mem>> -> memref<1x!tpu.dma_semaphore, #tpu.memory_space<semaphore_mem>>
    %dma_start3A_393 = tpu.memref_squeeze %dma_start3A_392 : memref<1x!tpu.dma_semaphore, #tpu.memory_space<semaphore_mem>> -> memref<!tpu.dma_semaphore, #tpu.memory_space<semaphore_mem>>
    %dma_start3A_394 = arith.constant 0 : i32
    %dma_start3A_395 = arith.constant 0 : i32
    %dma_start3A_396 = tpu.memref_slice %arg3[%dma_start3A_390, %dma_start3A_394, %dma_start3A_395] : memref<4x1024x1024xf32, #tpu.memory_space<vmem>> -> memref<1x1024x1024xf32, #tpu.memory_space<vmem>>
    %dma_start3A_397 = tpu.memref_squeeze %dma_start3A_396 : memref<1x1024x1024xf32, #tpu.memory_space<vmem>> -> memref<1024x1024xf32, #tpu.memory_space<vmem>>
    %dma_start3A_398 = arith.constant 13312 : i32
    %dma_start3A_399 = arith.constant 0 : i32
    %dma_start3A_400 = tpu.memref_slice %arg0[%dma_start3A_398, %dma_start3A_399] : memref<16384x1024xf32, #tpu.memory_space<any>> -> memref<1024x1024xf32, #tpu.memory_space<any>>
    tpu.enqueue_dma source(%dma_start3A_400 : memref<1024x1024xf32, #tpu.memory_space<any>>) target(%dma_start3A_397 : memref<1024x1024xf32, #tpu.memory_space<vmem>>) target_semaphore(%dma_start3A_393 : memref<!tpu.dma_semaphore, #tpu.memory_space<semaphore_mem>>)
    %dma_wait3A_401 = arith.constant 2 : i32
    %dma_wait3A_402 = arith.constant 2 : i32
    %dma_wait3A_403 = tpu.memref_slice %arg4[%dma_wait3A_402] : memref<4x!tpu.dma_semaphore, #tpu.memory_space<semaphore_mem>> -> memref<1x!tpu.dma_semaphore, #tpu.memory_space<semaphore_mem>>
    %dma_wait3A_404 = tpu.memref_squeeze %dma_wait3A_403 : memref<1x!tpu.dma_semaphore, #tpu.memory_space<semaphore_mem>> -> memref<!tpu.dma_semaphore, #tpu.memory_space<semaphore_mem>>
    %dma_wait3A_405 = arith.constant 0 : i32
    %dma_wait3A_406 = arith.constant 0 : i32
    %dma_wait3A_407 = tpu.memref_slice %arg3[%dma_wait3A_401, %dma_wait3A_405, %dma_wait3A_406] : memref<4x1024x1024xf32, #tpu.memory_space<vmem>> -> memref<1x1024x1024xf32, #tpu.memory_space<vmem>>
    %dma_wait3A_408 = tpu.memref_squeeze %dma_wait3A_407 : memref<1x1024x1024xf32, #tpu.memory_space<vmem>> -> memref<1024x1024xf32, #tpu.memory_space<vmem>>
    %dma_wait3A_409 = arith.constant 10240 : i32
    %dma_wait3A_410 = arith.constant 0 : i32
    %dma_wait3A_411 = tpu.memref_slice %arg0[%dma_wait3A_409, %dma_wait3A_410] : memref<16384x1024xf32, #tpu.memory_space<any>> -> memref<1024x1024xf32, #tpu.memory_space<any>>
    tpu.wait_dma2 semaphore(%dma_wait3A_404 : memref<!tpu.dma_semaphore, #tpu.memory_space<semaphore_mem>>) src(%dma_wait3A_411 : memref<1024x1024xf32, #tpu.memory_space<any>>) dst(%dma_wait3A_408 : memref<1024x1024xf32, #tpu.memory_space<vmem>>)
    %get3A_412 = arith.constant 2 : index
    %get3A_413 = arith.constant 0 : index
    %get3A_414 = arith.constant 0 : index
    %get3A_415 = vector.load %arg3[%get3A_412, %get3A_413, %get3A_414] : memref<4x1024x1024xf32, #tpu.memory_space<vmem>>, vector<1x1024x1024xf32>
    %get3A_416 = vector.shape_cast %get3A_415 : vector<1x1024x1024xf32> to vector<1024x1024xf32>
    %mul3A_417 = vector.broadcast %get3A_44 : vector<1x1024xf32> to vector<1024x1024xf32>
    %mul3A_418 = arith.mulf %get3A_416, %mul3A_417 : vector<1024x1024xf32>
    %reduce_sum3A_419 = arith.constant dense<0.000000e+00> : vector<1024xf32>
    %reduce_sum3A_420 = vector.multi_reduction <add>, %mul3A_418, %reduce_sum3A_419 [1] : vector<1024x1024xf32> to vector<1024xf32>
    %swap3A_421 = arith.constant 10 : index
    %swap3A_422 = arith.constant 0 : index
    %swap3A_423 = vector.load %arg2[%swap3A_421, %swap3A_422] : memref<15x1024xf32, #tpu.memory_space<vmem>>, vector<1x1024xf32>
    %swap3A_424 = vector.shape_cast %swap3A_423 : vector<1x1024xf32> to vector<1024xf32>
    %swap3A_425 = vector.shape_cast %reduce_sum3A_420 : vector<1024xf32> to vector<1x1024xf32>
    tpu.vector_store %arg2[%swap3A_421, %swap3A_422], %swap3A_425 {strides = array<i32>} : memref<15x1024xf32, #tpu.memory_space<vmem>>, vector<1x1024xf32>,
    %dma_start3A_426 = arith.constant 2 : i32
    %dma_start3A_427 = arith.constant 2 : i32
    %dma_start3A_428 = tpu.memref_slice %arg4[%dma_start3A_427] : memref<4x!tpu.dma_semaphore, #tpu.memory_space<semaphore_mem>> -> memref<1x!tpu.dma_semaphore, #tpu.memory_space<semaphore_mem>>
    %dma_start3A_429 = tpu.memref_squeeze %dma_start3A_428 : memref<1x!tpu.dma_semaphore, #tpu.memory_space<semaphore_mem>> -> memref<!tpu.dma_semaphore, #tpu.memory_space<semaphore_mem>>
    %dma_start3A_430 = arith.constant 0 : i32
    %dma_start3A_431 = arith.constant 0 : i32
    %dma_start3A_432 = tpu.memref_slice %arg3[%dma_start3A_426, %dma_start3A_430, %dma_start3A_431] : memref<4x1024x1024xf32, #tpu.memory_space<vmem>> -> memref<1x1024x1024xf32, #tpu.memory_space<vmem>>
    %dma_start3A_433 = tpu.memref_squeeze %dma_start3A_432 : memref<1x1024x1024xf32, #tpu.memory_space<vmem>> -> memref<1024x1024xf32, #tpu.memory_space<vmem>>
    %dma_start3A_434 = arith.constant 14336 : i32
    %dma_start3A_435 = arith.constant 0 : i32
    %dma_start3A_436 = tpu.memref_slice %arg0[%dma_start3A_434, %dma_start3A_435] : memref<16384x1024xf32, #tpu.memory_space<any>> -> memref<1024x1024xf32, #tpu.memory_space<any>>
    tpu.enqueue_dma source(%dma_start3A_436 : memref<1024x1024xf32, #tpu.memory_space<any>>) target(%dma_start3A_433 : memref<1024x1024xf32, #tpu.memory_space<vmem>>) target_semaphore(%dma_start3A_429 : memref<!tpu.dma_semaphore, #tpu.memory_space<semaphore_mem>>)
    %dma_wait3A_437 = arith.constant 3 : i32
    %dma_wait3A_438 = arith.constant 3 : i32
    %dma_wait3A_439 = tpu.memref_slice %arg4[%dma_wait3A_438] : memref<4x!tpu.dma_semaphore, #tpu.memory_space<semaphore_mem>> -> memref<1x!tpu.dma_semaphore, #tpu.memory_space<semaphore_mem>>
    %dma_wait3A_440 = tpu.memref_squeeze %dma_wait3A_439 : memref<1x!tpu.dma_semaphore, #tpu.memory_space<semaphore_mem>> -> memref<!tpu.dma_semaphore, #tpu.memory_space<semaphore_mem>>
    %dma_wait3A_441 = arith.constant 0 : i32
    %dma_wait3A_442 = arith.constant 0 : i32
    %dma_wait3A_443 = tpu.memref_slice %arg3[%dma_wait3A_437, %dma_wait3A_441, %dma_wait3A_442] : memref<4x1024x1024xf32, #tpu.memory_space<vmem>> -> memref<1x1024x1024xf32, #tpu.memory_space<vmem>>
    %dma_wait3A_444 = tpu.memref_squeeze %dma_wait3A_443 : memref<1x1024x1024xf32, #tpu.memory_space<vmem>> -> memref<1024x1024xf32, #tpu.memory_space<vmem>>
    %dma_wait3A_445 = arith.constant 11264 : i32
    %dma_wait3A_446 = arith.constant 0 : i32
    %dma_wait3A_447 = tpu.memref_slice %arg0[%dma_wait3A_445, %dma_wait3A_446] : memref<16384x1024xf32, #tpu.memory_space<any>> -> memref<1024x1024xf32, #tpu.memory_space<any>>
    tpu.wait_dma2 semaphore(%dma_wait3A_440 : memref<!tpu.dma_semaphore, #tpu.memory_space<semaphore_mem>>) src(%dma_wait3A_447 : memref<1024x1024xf32, #tpu.memory_space<any>>) dst(%dma_wait3A_444 : memref<1024x1024xf32, #tpu.memory_space<vmem>>)
    %get3A_448 = arith.constant 3 : index
    %get3A_449 = arith.constant 0 : index
    %get3A_450 = arith.constant 0 : index
    %get3A_451 = vector.load %arg3[%get3A_448, %get3A_449, %get3A_450] : memref<4x1024x1024xf32, #tpu.memory_space<vmem>>, vector<1x1024x1024xf32>
    %get3A_452 = vector.shape_cast %get3A_451 : vector<1x1024x1024xf32> to vector<1024x1024xf32>
    %mul3A_453 = vector.broadcast %get3A_44 : vector<1x1024xf32> to vector<1024x1024xf32>
    %mul3A_454 = arith.mulf %get3A_452, %mul3A_453 : vector<1024x1024xf32>
    %reduce_sum3A_455 = arith.constant dense<0.000000e+00> : vector<1024xf32>
    %reduce_sum3A_456 = vector.multi_reduction <add>, %mul3A_454, %reduce_sum3A_455 [1] : vector<1024x1024xf32> to vector<1024xf32>
    %swap3A_457 = arith.constant 11 : index
    %swap3A_458 = arith.constant 0 : index
    %swap3A_459 = vector.load %arg2[%swap3A_457, %swap3A_458] : memref<15x1024xf32, #tpu.memory_space<vmem>>, vector<1x1024xf32>
    %swap3A_460 = vector.shape_cast %swap3A_459 : vector<1x1024xf32> to vector<1024xf32>
    %swap3A_461 = vector.shape_cast %reduce_sum3A_456 : vector<1024xf32> to vector<1x1024xf32>
    tpu.vector_store %arg2[%swap3A_457, %swap3A_458], %swap3A_461 {strides = array<i32>} : memref<15x1024xf32, #tpu.memory_space<vmem>>, vector<1x1024xf32>,
    %dma_wait3A_462 = arith.constant 0 : i32
    %dma_wait3A_463 = arith.constant 0 : i32
    %dma_wait3A_464 = tpu.memref_slice %arg4[%dma_wait3A_463] : memref<4x!tpu.dma_semaphore, #tpu.memory_space<semaphore_mem>> -> memref<1x!tpu.dma_semaphore, #tpu.memory_space<semaphore_mem>>
    %dma_wait3A_465 = tpu.memref_squeeze %dma_wait3A_464 : memref<1x!tpu.dma_semaphore, #tpu.memory_space<semaphore_mem>> -> memref<!tpu.dma_semaphore, #tpu.memory_space<semaphore_mem>>
    %dma_wait3A_466 = arith.constant 0 : i32
    %dma_wait3A_467 = arith.constant 0 : i32
    %dma_wait3A_468 = tpu.memref_slice %arg3[%dma_wait3A_462, %dma_wait3A_466, %dma_wait3A_467] : memref<4x1024x1024xf32, #tpu.memory_space<vmem>> -> memref<1x1024x1024xf32, #tpu.memory_space<vmem>>
    %dma_wait3A_469 = tpu.memref_squeeze %dma_wait3A_468 : memref<1x1024x1024xf32, #tpu.memory_space<vmem>> -> memref<1024x1024xf32, #tpu.memory_space<vmem>>
    %dma_wait3A_470 = arith.constant 12288 : i32
    %dma_wait3A_471 = arith.constant 0 : i32
    %dma_wait3A_472 = tpu.memref_slice %arg0[%dma_wait3A_470, %dma_wait3A_471] : memref<16384x1024xf32, #tpu.memory_space<any>> -> memref<1024x1024xf32, #tpu.memory_space<any>>
    tpu.wait_dma2 semaphore(%dma_wait3A_465 : memref<!tpu.dma_semaphore, #tpu.memory_space<semaphore_mem>>) src(%dma_wait3A_472 : memref<1024x1024xf32, #tpu.memory_space<any>>) dst(%dma_wait3A_469 : memref<1024x1024xf32, #tpu.memory_space<vmem>>)
    %get3A_473 = arith.constant 0 : index
    %get3A_474 = arith.constant 0 : index
    %get3A_475 = arith.constant 0 : index
    %get3A_476 = vector.load %arg3[%get3A_473, %get3A_474, %get3A_475] : memref<4x1024x1024xf32, #tpu.memory_space<vmem>>, vector<1x1024x1024xf32>
    %get3A_477 = vector.shape_cast %get3A_476 : vector<1x1024x1024xf32> to vector<1024x1024xf32>
    %mul3A_478 = vector.broadcast %get3A_44 : vector<1x1024xf32> to vector<1024x1024xf32>
    %mul3A_479 = arith.mulf %get3A_477, %mul3A_478 : vector<1024x1024xf32>
    %reduce_sum3A_480 = arith.constant dense<0.000000e+00> : vector<1024xf32>
    %reduce_sum3A_481 = vector.multi_reduction <add>, %mul3A_479, %reduce_sum3A_480 [1] : vector<1024x1024xf32> to vector<1024xf32>
    %swap3A_482 = arith.constant 12 : index
    %swap3A_483 = arith.constant 0 : index
    %swap3A_484 = vector.load %arg2[%swap3A_482, %swap3A_483] : memref<15x1024xf32, #tpu.memory_space<vmem>>, vector<1x1024xf32>
    %swap3A_485 = vector.shape_cast %swap3A_484 : vector<1x1024xf32> to vector<1024xf32>
    %swap3A_486 = vector.shape_cast %reduce_sum3A_481 : vector<1024xf32> to vector<1x1024xf32>
    tpu.vector_store %arg2[%swap3A_482, %swap3A_483], %swap3A_486 {strides = array<i32>} : memref<15x1024xf32, #tpu.memory_space<vmem>>, vector<1x1024xf32>,
    %dma_wait3A_487 = arith.constant 1 : i32
    %dma_wait3A_488 = arith.constant 1 : i32
    %dma_wait3A_489 = tpu.memref_slice %arg4[%dma_wait3A_488] : memref<4x!tpu.dma_semaphore, #tpu.memory_space<semaphore_mem>> -> memref<1x!tpu.dma_semaphore, #tpu.memory_space<semaphore_mem>>
    %dma_wait3A_490 = tpu.memref_squeeze %dma_wait3A_489 : memref<1x!tpu.dma_semaphore, #tpu.memory_space<semaphore_mem>> -> memref<!tpu.dma_semaphore, #tpu.memory_space<semaphore_mem>>
    %dma_wait3A_491 = arith.constant 0 : i32
    %dma_wait3A_492 = arith.constant 0 : i32
    %dma_wait3A_493 = tpu.memref_slice %arg3[%dma_wait3A_487, %dma_wait3A_491, %dma_wait3A_492] : memref<4x1024x1024xf32, #tpu.memory_space<vmem>> -> memref<1x1024x1024xf32, #tpu.memory_space<vmem>>
    %dma_wait3A_494 = tpu.memref_squeeze %dma_wait3A_493 : memref<1x1024x1024xf32, #tpu.memory_space<vmem>> -> memref<1024x1024xf32, #tpu.memory_space<vmem>>
    %dma_wait3A_495 = arith.constant 13312 : i32
    %dma_wait3A_496 = arith.constant 0 : i32
    %dma_wait3A_497 = tpu.memref_slice %arg0[%dma_wait3A_495, %dma_wait3A_496] : memref<16384x1024xf32, #tpu.memory_space<any>> -> memref<1024x1024xf32, #tpu.memory_space<any>>
    tpu.wait_dma2 semaphore(%dma_wait3A_490 : memref<!tpu.dma_semaphore, #tpu.memory_space<semaphore_mem>>) src(%dma_wait3A_497 : memref<1024x1024xf32, #tpu.memory_space<any>>) dst(%dma_wait3A_494 : memref<1024x1024xf32, #tpu.memory_space<vmem>>)
    %get3A_498 = arith.constant 1 : index
    %get3A_499 = arith.constant 0 : index
    %get3A_500 = arith.constant 0 : index
    %get3A_501 = vector.load %arg3[%get3A_498, %get3A_499, %get3A_500] : memref<4x1024x1024xf32, #tpu.memory_space<vmem>>, vector<1x1024x1024xf32>
    %get3A_502 = vector.shape_cast %get3A_501 : vector<1x1024x1024xf32> to vector<1024x1024xf32>
    %mul3A_503 = vector.broadcast %get3A_44 : vector<1x1024xf32> to vector<1024x1024xf32>
    %mul3A_504 = arith.mulf %get3A_502, %mul3A_503 : vector<1024x1024xf32>
    %reduce_sum3A_505 = arith.constant dense<0.000000e+00> : vector<1024xf32>
    %reduce_sum3A_506 = vector.multi_reduction <add>, %mul3A_504, %reduce_sum3A_505 [1] : vector<1024x1024xf32> to vector<1024xf32>
    %swap3A_507 = arith.constant 13 : index
    %swap3A_508 = arith.constant 0 : index
    %swap3A_509 = vector.load %arg2[%swap3A_507, %swap3A_508] : memref<15x1024xf32, #tpu.memory_space<vmem>>, vector<1x1024xf32>
    %swap3A_510 = vector.shape_cast %swap3A_509 : vector<1x1024xf32> to vector<1024xf32>
    %swap3A_511 = vector.shape_cast %reduce_sum3A_506 : vector<1024xf32> to vector<1x1024xf32>
    tpu.vector_store %arg2[%swap3A_507, %swap3A_508], %swap3A_511 {strides = array<i32>} : memref<15x1024xf32, #tpu.memory_space<vmem>>, vector<1x1024xf32>,
    %dma_wait3A_512 = arith.constant 2 : i32
    %dma_wait3A_513 = arith.constant 2 : i32
    %dma_wait3A_514 = tpu.memref_slice %arg4[%dma_wait3A_513] : memref<4x!tpu.dma_semaphore, #tpu.memory_space<semaphore_mem>> -> memref<1x!tpu.dma_semaphore, #tpu.memory_space<semaphore_mem>>
    %dma_wait3A_515 = tpu.memref_squeeze %dma_wait3A_514 : memref<1x!tpu.dma_semaphore, #tpu.memory_space<semaphore_mem>> -> memref<!tpu.dma_semaphore, #tpu.memory_space<semaphore_mem>>
    %dma_wait3A_516 = arith.constant 0 : i32
    %dma_wait3A_517 = arith.constant 0 : i32
    %dma_wait3A_518 = tpu.memref_slice %arg3[%dma_wait3A_512, %dma_wait3A_516, %dma_wait3A_517] : memref<4x1024x1024xf32, #tpu.memory_space<vmem>> -> memref<1x1024x1024xf32, #tpu.memory_space<vmem>>
    %dma_wait3A_519 = tpu.memref_squeeze %dma_wait3A_518 : memref<1x1024x1024xf32, #tpu.memory_space<vmem>> -> memref<1024x1024xf32, #tpu.memory_space<vmem>>
    %dma_wait3A_520 = arith.constant 14336 : i32
    %dma_wait3A_521 = arith.constant 0 : i32
    %dma_wait3A_522 = tpu.memref_slice %arg0[%dma_wait3A_520, %dma_wait3A_521] : memref<16384x1024xf32, #tpu.memory_space<any>> -> memref<1024x1024xf32, #tpu.memory_space<any>>
    tpu.wait_dma2 semaphore(%dma_wait3A_515 : memref<!tpu.dma_semaphore, #tpu.memory_space<semaphore_mem>>) src(%dma_wait3A_522 : memref<1024x1024xf32, #tpu.memory_space<any>>) dst(%dma_wait3A_519 : memref<1024x1024xf32, #tpu.memory_space<vmem>>)
    %get3A_523 = arith.constant 2 : index
    %get3A_524 = arith.constant 0 : index
    %get3A_525 = arith.constant 0 : index
    %get3A_526 = vector.load %arg3[%get3A_523, %get3A_524, %get3A_525] : memref<4x1024x1024xf32, #tpu.memory_space<vmem>>, vector<1x1024x1024xf32>
    %get3A_527 = vector.shape_cast %get3A_526 : vector<1x1024x1024xf32> to vector<1024x1024xf32>
    %mul3A_528 = vector.broadcast %get3A_44 : vector<1x1024xf32> to vector<1024x1024xf32>
    %mul3A_529 = arith.mulf %get3A_527, %mul3A_528 : vector<1024x1024xf32>
    %reduce_sum3A_530 = arith.constant dense<0.000000e+00> : vector<1024xf32>
    %reduce_sum3A_531 = vector.multi_reduction <add>, %mul3A_529, %reduce_sum3A_530 [1] : vector<1024x1024xf32> to vector<1024xf32>
    %swap3A_532 = arith.constant 14 : index
    %swap3A_533 = arith.constant 0 : index
    %swap3A_534 = vector.load %arg2[%swap3A_532, %swap3A_533] : memref<15x1024xf32, #tpu.memory_space<vmem>>, vector<1x1024xf32>
    %swap3A_535 = vector.shape_cast %swap3A_534 : vector<1x1024xf32> to vector<1024xf32>
    %swap3A_536 = vector.shape_cast %reduce_sum3A_531 : vector<1024xf32> to vector<1x1024xf32>
    tpu.vector_store %arg2[%swap3A_532, %swap3A_533], %swap3A_536 {strides = array<i32>} : memref<15x1024xf32, #tpu.memory_space<vmem>>, vector<1x1024xf32>,
    return
  }
}

module attributes {stable_mosaic.version = 14 : i64} {
  func.func @_softmax_body(%arg0: memref<15x1024xf32, #tpu.memory_space<vmem>>, %arg1: memref<1024xf32, #tpu.memory_space<vmem>>, %arg2: memref<16384xf32, #tpu.memory_space<vmem>>) attributes {dimension_semantics = [], scalar_prefetch = 0 : i64, scratch_operands = 0 : i64, tpu.core_type = #tpu.core_type<tc>} {
    %get3A = arith.constant 0 : index
    %get3A_0 = arith.constant 0 : index
    %get3A_1 = vector.load %arg0[%get3A, %get3A_0] : memref<15x1024xf32, #tpu.memory_space<vmem>>, vector<15x1024xf32>
    %get3A_2 = arith.constant 0 : index
    %get3A_3 = vector.load %arg1[%get3A_2] : memref<1024xf32, #tpu.memory_space<vmem>>, vector<1024xf32>
    %reduce_max3A = vector.shape_cast %get3A_1 : vector<15x1024xf32> to vector<1x15x1024xf32>
    %reduce_max3A_4 = arith.constant dense<0xFF800000> : vector<1xf32>
    %reduce_max3A_5 = vector.multi_reduction <maximumf>, %reduce_max3A, %reduce_max3A_4 [1, 2] : vector<1x15x1024xf32> to vector<1xf32>
    %reduce_max3A_6 = vector.shape_cast %reduce_max3A_5 : vector<1xf32> to vector<1x1x1xf32>
    %reduce_max3A_7 = vector.extract %reduce_max3A_6[0, 0, 0] : f32 from vector<1x1x1xf32>
    %reduce_max3A_8 = vector.shape_cast %get3A_3 : vector<1024xf32> to vector<1x1024xf32>
    %reduce_max3A_9 = arith.constant dense<0xFF800000> : vector<1xf32>
    %reduce_max3A_10 = vector.multi_reduction <maximumf>, %reduce_max3A_8, %reduce_max3A_9 [1] : vector<1x1024xf32> to vector<1xf32>
    %reduce_max3A_11 = vector.shape_cast %reduce_max3A_10 : vector<1xf32> to vector<1x1xf32>
    %reduce_max3A_12 = vector.extract %reduce_max3A_11[0, 0] : f32 from vector<1x1xf32>
    %max3A = arith.maximumf %reduce_max3A_7, %reduce_max3A_12 : f32
    %sub3A = vector.broadcast %max3A : f32 to vector<15x1024xf32>
    %sub3A_13 = arith.subf %get3A_1, %sub3A : vector<15x1024xf32>
    %exp3A = math.exp %sub3A_13 : vector<15x1024xf32>
    %sub3A_14 = vector.broadcast %max3A : f32 to vector<1024xf32>
    %sub3A_15 = arith.subf %get3A_3, %sub3A_14 : vector<1024xf32>
    %exp3A_16 = math.exp %sub3A_15 : vector<1024xf32>
    %reduce_sum3A = vector.shape_cast %exp3A : vector<15x1024xf32> to vector<1x15x1024xf32>
    %reduce_sum3A_17 = arith.constant dense<0.000000e+00> : vector<1xf32>
    %reduce_sum3A_18 = vector.multi_reduction <add>, %reduce_sum3A, %reduce_sum3A_17 [1, 2] : vector<1x15x1024xf32> to vector<1xf32>
    %reduce_sum3A_19 = vector.shape_cast %reduce_sum3A_18 : vector<1xf32> to vector<1x1x1xf32>
    %reduce_sum3A_20 = vector.extract %reduce_sum3A_19[0, 0, 0] : f32 from vector<1x1x1xf32>
    %reduce_sum3A_21 = vector.shape_cast %exp3A_16 : vector<1024xf32> to vector<1x1024xf32>
    %reduce_sum3A_22 = arith.constant dense<0.000000e+00> : vector<1xf32>
    %reduce_sum3A_23 = vector.multi_reduction <add>, %reduce_sum3A_21, %reduce_sum3A_22 [1] : vector<1x1024xf32> to vector<1xf32>
    %reduce_sum3A_24 = vector.shape_cast %reduce_sum3A_23 : vector<1xf32> to vector<1x1xf32>
    %reduce_sum3A_25 = vector.extract %reduce_sum3A_24[0, 0] : f32 from vector<1x1xf32>
    %add3A = arith.addf %reduce_sum3A_20, %reduce_sum3A_25 : f32
    %div3A = arith.constant 1.000000e+00 : f32
    %div3A_26 = arith.divf %div3A, %add3A : f32
    %reshape3A = vector.shape_cast %exp3A : vector<15x1024xf32> to vector<15360xf32>
    %mul3A = vector.broadcast %div3A_26 : f32 to vector<15360xf32>
    %mul3A_27 = arith.mulf %reshape3A, %mul3A : vector<15360xf32>
    %swap3A = arith.constant 0 : index
    %swap3A_28 = vector.load %arg2[%swap3A] : memref<16384xf32, #tpu.memory_space<vmem>>, vector<15360xf32>
    tpu.vector_store %arg2[%swap3A], %mul3A_27 {strides = array<i32>} : memref<16384xf32, #tpu.memory_space<vmem>>, vector<15360xf32>,
    %mul3A_29 = vector.broadcast %div3A_26 : f32 to vector<1024xf32>
    %mul3A_30 = arith.mulf %exp3A_16, %mul3A_29 : vector<1024xf32>
    %swap3A_31 = arith.constant 15360 : index
    %swap3A_32 = vector.load %arg2[%swap3A_31] : memref<16384xf32, #tpu.memory_space<vmem>>, vector<1024xf32>
    tpu.vector_store %arg2[%swap3A_31], %mul3A_30 {strides = array<i32>} : memref<16384xf32, #tpu.memory_space<vmem>>, vector<1024xf32>,
    return
  }
}

</mosaic_0001>

<sc_bundles>
// kernel: kernel.5.cloned.1.call-start
scs
__scs_entry_jumppad:
0x0: {  	(pc) =	sbr.rel $0x88, $3  }
0x1: {  	(tag) =	ssettag $0x0;
	lr =	simm.s32 $0x1  }
0x2: {  	[smem:$0x3F9F] =	sst lr;
	_ =	strace $0xD0000000  }
0x3: {  	_ = 	snop  }
0x4: {  	_ = 	snop  }
0x5: {  	_ = 	snop  }
0x6: {  	_ = 	snop  }
0x7: {  	_ = 	snop  }
__scs_overlays_trampoline_lowered:
0x8: {  	[smem:$0x3FAE] =	sst s0  }
0x9: {  	[smem:$0x3FAF] =	sst s1  }
0xa: {  	[smem:$0x3FB0] =	sst s2  }
0xb: {  	[smem:$0x3FB1] =	sst s3  }
0xc: {  	[smem:$0x3FB2] =	sst s4  }
0xd: {  	[smem:$0x3FB3] =	sst s5  }
0xe: {  	[smem:$0x3FB4] =	sst s6  }
0xf: {  	[smem:$0x3FB5] =	sst s7  }
0x10: {  	[smem:$0x3FB6] =	sst s8  }
0x11: {  	[smem:$0x3FB7] =	sst s9;
	s0 =	simm.s32 @!p0 $0x0  }
0x12: {  	s1 =	sld [smem:$0x3F9D];
	s0 =	simm.s32 @p0 $0x1  }
0x13: {  	[smem:$0x3FB8] =	sst s0;
	s0 =	simm.s32 @!p1 $0x0  }
0x14: {  	s2 =	sld [smem:$0x3F9C];
	s0 =	simm.s32 @p1 $0x1  }
0x15: {  	[smem:$0x3FB9] =	sst s0;
	s0 =	simm.s32 @!p2 $0x0  }
0x16: {  	s3 =	sld [smem:$0x3FDB];
	s0 =	simm.s32 @p2 $0x1  }
0x17: {  	s4 =	simm.s32 $0x1BF5;
	[smem:$0x3FBB] =	sst s0  }
0x18: {  	s0 =	sld [smem:$0x3F9E];
	_ =	swait.ge [sflag:s4], $0x0  }
0x19: {  	s7 =	sld [smem:$0x3F9F]  }
0x1a: {  	s8 =	sadd.s32 $0xFFFFE003, lr  }
0x1b: {  	s9 =	sadd.s32 $0xFFFFFEF7, lr;
	s5 =	simm.s32 $0xFFFFFFFF;
	p2 =	slt.u32 s8, $0xFFFFF086  }
0x1c: {  	p1 =	slt.u32 s9, $0xF7A;
	s5 =	simm.s32 @!p2 $0x0  }
0x1d: {  	s5 =	simm.s32 @p1 $0x1;
	p0 =	seq.s32 s7, s2  }
0x1e: {  	s7 =	smul.u32 @!p0 $0xF7A, s2;
	p2 =	seq.s32 @!p0 s5, $0x0  }
0x1f: {  	s9 =	smul.u32 $0xF7A, s1;
	s8 =	simm.s32 @!p0 $0x1BF5;
	p2 =	por !p2, p0  }
0x20: {  	[sflag:s8] =	ssyncset.s32 @!p0 $0xFFFFF086;
	s6 =	sadd.s32 @!p0 s3, s7;
	s7 =	simm.s32 @!p0 $0x108  }
0x21: {  	s3 =	sadd.s32 s3, s9;
	s6 =	sadd.s32 @!p0 $0x88, s6;
	s7 =	simm.s32 @p2 $0x1082  }
0x22: {  	[simem:s7], [sflag:s8] =	dma.local @!p0 [hbm:s6], $0xF7A  }
0x23: {  	s9 =	sor.u32 $0xD0000000, s2;
	s6 =	simm.s32 $0x108;
	_ =	swait.ge @!p0 [sflag:s8], $0x0  }
0x24: {  	s3 =	sadd.s32 $0x88, s3;
	s6 =	simm.s32 @!p1 $0x1082;
	[sflag:s4] =	ssyncset.s32 $0xFFFFF086  }
0x25: {  	[simem:s6], [sflag:s4] =	dma.local [hbm:s3], $0xF7A  }
0x26: {  	[smem:$0x3F9F] =	sst s1;
	(tag) =	ssettag s2;
	_ =	strace s9  }
0x27: {  	s1 =	sld [smem:$0x3FAF]  }
0x28: {  	s2 =	sld [smem:$0x3FB0]  }
0x29: {  	s4 =	sld [smem:$0x3FB2]  }
0x2a: {  	p0 =	seq.s32 s5, $0x0;
	s5 =	sld [smem:$0x3FB3]  }
0x2b: {  	s6 =	sld [smem:$0x3FB4]  }
0x2c: {  	s7 =	sld [smem:$0x3FB5]  }
0x2d: {  	s3 =	simm.s32 $0x108;
	s8 =	sld [smem:$0x3FB6]  }
0x2e: {  	s3 =	simm.s32 @!p0 $0x1082;
	s9 =	sld [smem:$0x3FB7]  }
0x2f: {  	lr =	sadd.s32 s0, s3;
	s0 =	sld [smem:$0x3FAE]  }
0x30: {  	s3 =	sld [smem:$0x3FB1]  }
0x31: {  	[smem:$0x3FBA] =	sst s10  }
0x32: {  	s10 =	sld [smem:$0x3FB8];
	_ =	sdelay $0x3  }
0x33: {  	p0 =	seq.s32 s10, $0x1;
	s10 =	sld [smem:$0x3FBA];
	_ =	sdelay $0x3  }
0x34: {  	[smem:$0x3FBA] =	sst s10  }
0x35: {  	s10 =	sld [smem:$0x3FB9];
	_ =	sdelay $0x3  }
0x36: {  	p1 =	seq.s32 s10, $0x1;
	s10 =	sld [smem:$0x3FBA];
	_ =	sdelay $0x3  }
0x37: {  	[smem:$0x3FBA] =	sst s10  }
0x38: {  	s10 =	sld [smem:$0x3FBB]  }
0x39: {  	_ = 	snop;
	(pc) =	sbr.ind lr, $3  }
0x3a: {  	_ = 	snop  }
0x3b: {  	_ = 	snop  }
0x3c: {  	p2 =	seq.s32 s10, $0x1;
	s10 =	sld [smem:$0x3FBA]  }
0x3d: {  	_ =	shalt  }
0x3e: {  	_ =	shalt  }
0x3f: {  	_ =	shalt  }
0x40: {  	_ =	shalt  }
0x41: {  	_ =	shalt  }
0x42: {  	_ =	shalt  }
0x43: {  	_ =	shalt  }
0x44: {  	_ =	shalt  }
0x45: {  	_ =	shalt  }
0x46: {  	_ =	shalt  }
0x47: {  	_ =	shalt  }
0x48: {  	_ =	shalt  }
0x49: {  	_ =	shalt  }
0x4a: {  	_ =	shalt  }
0x4b: {  	_ =	shalt  }
0x4c: {  	_ =	shalt  }
0x4d: {  	_ =	shalt  }
0x4e: {  	_ =	shalt  }
0x4f: {  	_ =	shalt  }
0x50: {  	_ =	shalt  }
0x51: {  	_ =	shalt  }
0x52: {  	_ =	shalt  }
0x53: {  	_ =	shalt  }
0x54: {  	_ =	shalt  }
0x55: {  	_ =	shalt  }
0x56: {  	_ =	shalt  }
0x57: {  	_ =	shalt  }
0x58: {  	_ =	shalt  }
0x59: {  	_ =	shalt  }
0x5a: {  	_ =	shalt  }
0x5b: {  	_ =	shalt  }
0x5c: {  	_ =	shalt  }
0x5d: {  	_ =	shalt  }
0x5e: {  	_ =	shalt  }
0x5f: {  	_ =	shalt  }
0x60: {  	_ =	shalt  }
0x61: {  	_ =	shalt  }
0x62: {  	_ =	shalt  }
0x63: {  	_ =	shalt  }
0x64: {  	_ =	shalt  }
0x65: {  	_ =	shalt  }
0x66: {  	_ =	shalt  }
0x67: {  	_ =	shalt  }
0x68: {  	_ =	shalt  }
0x69: {  	_ =	shalt  }
0x6a: {  	_ =	shalt  }
0x6b: {  	_ =	shalt  }
0x6c: {  	_ =	shalt  }
0x6d: {  	_ =	shalt  }
0x6e: {  	_ =	shalt  }
0x6f: {  	_ =	shalt  }
0x70: {  	_ =	shalt  }
0x71: {  	_ =	shalt  }
0x72: {  	_ =	shalt  }
0x73: {  	_ =	shalt  }
0x74: {  	_ =	shalt  }
0x75: {  	_ =	shalt  }
0x76: {  	_ =	shalt  }
0x77: {  	_ =	shalt  }
0x78: {  	_ =	shalt  }
0x79: {  	_ =	shalt  }
0x7a: {  	_ =	shalt  }
0x7b: {  	_ =	shalt  }
0x7c: {  	_ =	shalt  }
0x7d: {  	_ =	shalt  }
0x7e: {  	_ =	shalt  }
0x7f: {  	_ =	shalt  }
0x80: {  	_ =	shalt  }
0x81: {  	_ =	shalt  }
0x82: {  	_ =	shalt  }
0x83: {  	_ =	shalt  }
0x84: {  	_ =	shalt  }
0x85: {  	_ =	shalt  }
0x86: {  	_ =	shalt  }
0x87: {  	_ =	shalt  }
.Lfunc_end0:
.L_simem_size_0:
called_computation_lowered:
.L_overlay_start_0:
0x88: {  	s2 =	sld [smem:$0x3FD9]  }
0x89: {  	s3 =	sld [smem:$0x3FFE];
	_ =	sdelay $0x1  }
0x8a: {  	s1 =	srdreg.scid  }
0x8b: {  	s0 =	sand.u32 $0x1, s1  }
0x8c: {  	s18 =	sshll.u32 s0, $0xA;
	s2 =	sadd.s32 s3, s2  }
0x8d: {  	s2 =	sadd.s32 s2, s18  }
0x8e: {  	[smem:$0x3FC6] =	sst s2  }
0x8f: {  	_ = 	snop  }
0x90: {  	s2 =	sld [smem:$0x3FC9]  }
0x91: {  	s19 =	sld [smem:$0x3FC8]  }
0x92: {  	s4 =	sld [smem:$0x3FD0];
	(tm) =	ssettm $0x1  }
0x93: {  	s5 =	sld [smem:$0x3FFB];
	_ =	sdelay $0x3  }
0x94: {  	_ =	strace s5  }
0x95: {  	s5 =	sld [smem:$0x3FFC];
	_ =	sdelay $0x3  }
0x96: {  	_ =	strace s5  }
0x97: {  	s5 =	sld [smem:$0x3FFD];
	_ =	sdelay $0x3  }
0x98: {  	_ =	strace s5  }
0x99: {  	_ =	strace $0x8FFFFFFF  }
0x9a: {  	s20 =	sld [smem:$0x3FDB];
	_ =	sdelay $0x1  }
0x9b: {  	s6 =	simm.s32 $_scs_section_size  }
0x9c: {  	s7 =	simm.s32 $_size__tile_overlayer_lowered;
	s8 =	simm.s32 $_tile_overlayer_lowered  }
0x9d: {  	s23 =	simm.s32 $0x1BFF;
	s22 =	sshll.u32 s8, $0x1;
	s5 =	sadd.s32 s6, s20  }
0x9e: {  	s9 =	simm.s32 $0x0;
	s21 =	sshll.u32 s7, $0x1;
	s7 =	sadd.s32 s22, s5  }
0x9f: {  	[timem:s9], [sflag:s23] =	dma.local [hbm:s7], s21  }
0xa0: {  	_ =	swait.ge [sflag:s23], s21  }
0xa1: {  	s6 =	ssub.s32 $0x0, s21;
	[sflag:s23] =	ssyncset.done $0x0  }
0xa2: {  	[sflag:s23] =	ssyncadd.s32 s6;
	_ =	sdelay $0x1  }
0xa3: {  	s24 =	simm.s32 $0x1B8B  }
0xa4: {  	_ =	swait.ge [sflag:s24], $0x1  }
0xa5: {  	[sflag:s24] =	ssyncset.done $0x0  }
0xa6: {  	s25 =	simm.s32 $0x1B8E;
	[sflag:s24] =	ssyncadd.s32 $0xFFFFFFFF  }
0xa7: {  	s26 =	simm.s32 $execute0_lowered;
	[smem:$0x3FD2] =	sst s25  }
0xa8: {  	s6 =	sshll.u32 s26, $0x1;
	_ =	strace $0x80000046;
	[dreg:$0x1] =	wrdreg $0xFFFFFFFF  }
0xa9: {  	s28 =	simm.s32 $_size_execute0_lowered;
	s5 =	sadd.s32 s5, s6;
	[dreg:$0x0] =	wrdreg $0x0  }
0xaa: {  	s6 =	sshll.u32 s28, $0x1;
	[dreg:$0x2] =	wrdreg s5  }
0xab: {  	[dreg:$0x3] =	wrdreg s6  }
0xac: {  	[dreg:$0x4] =	wrdreg $0xC0  }
0xad: {  	_ =	task [dreg:s9], $0x5FFFF  }
0xae: {  	[dreg:$0x1] =	wrdreg $0xFFFFFFFF  }
0xaf: {  	[dreg:$0x0] =	wrdreg $0x60  }
0xb0: {  	[dreg:$0x2] =	wrdreg s2  }
0xb1: {  	[dreg:$0x3] =	wrdreg s19  }
0xb2: {  	[dreg:$0x4] =	wrdreg s4  }
0xb3: {  	[dreg:$0x5] =	wrdreg $0x9  }
0xb4: {  	_ =	task.clear_ibuf [dreg:s9], $0x6FFFF;
	_ =	strace $0x90000046  }
0xb5: {  	s29 =	simm.s32 $0x9;
	_ =	strace $0x80000048  }
0xb6: {  	_ =	swait.ge [sflag:s29], $0x1  }
0xb7: {  	[sflag:s29] =	ssyncadd.s32 $0xFFFFFFFF  }
0xb8: {  	_ =	strace $0x90000048  }
0xb9: {  	_ =	sfence  }
0xba: {  	s30 =	sld [smem:$0x0];
	_ =	sdelay $0x2  }
0xbb: {  	s31 =	sshll.u32 s1, $0xD;
	s1 =	sshrl.u32 s1, $0x2  }
0xbc: {  	s3 =	sand.u32 $0x4000, s31;
	s1 =	sadd.s32 s1, s30  }
0xbd: {  	s0 =	sor.u32 s3, s0;
	s1 =	sshll.u32 s1, $0x11  }
0xbe: {  	s0 =	sor.u32 s1, s0  }
0xbf: {  	s0 =	sadd.s32 $0x8F2B, s0  }
0xc0: {  	[sflag:s0] =	ssyncadd.remote.s32 $0x1  }
0xc1: {  	_ =	sfence.sel $0xFFFF  }
0xc2: {  	[dreg:$0x0] =	wrdreg $0xFFFFFFFF;
	(pc) =	sbr.abs _section_cstart, $3  }
0xc3: {  	[dreg:$0x1] =	wrdreg $0xFFFFFFFF  }
0xc4: {  	_ =	task.clear_ibuf [dreg:s9], $0x2FFFF;
	_ =	strace $0x9FFFFFFF  }
0xc5: {  	(tm) =	ssettm $0x7FFFFFFF  }
tec
execute0_lowered:
.L_overlay_start_1:
0x0: {  	(tag) =	ssettag $0x1  }
0x1: {  	s5 =	rddreg [dreg:$0x0]  }
0x2: {  	s1 =	rddreg [dreg:$0x1]  }
0x3: {  	s6 =	rddreg [dreg:$0x2]  }
0x4: {  	s0 =	rddreg [dreg:$0x3];
	s3 =	simm.s32 $0x0;
	s4 =	srdreg.scid  }
0x5: {  	s2 =	stileid.u32;
	s10 =	simm.s32 $0x4400;
	s11 =	simm.s32 $0x0  }
0x6: {  	vm0 =	vmmov $0x1;
	vm1 =	vmmov $0x3;
	vm2 =	vmmov $0x7;
	[smem:$0x7FF] =	sst s3;
	s4 =	sand.u32 $0x1, s4;
	s8 =	sshll.u32 s2, $0x6  }
0x7: {  	vm3 =	vmmov $0xf;
	vm4 =	vmmov $0x1f;
	vm5 =	vmmov $0x3f;
	s5 =	sadd.s32 $0x1E0000, s5;
	s7 =	ssub.s32 $0x2, s4;
	s4 =	sshll.u32 s4, $0x5  }
0x8: {  	vm6 =	vmmov $0x7f;
	vm7 =	vmmov $0xff;
	vm8 =	vmmov $0x1ff;
	_ =	strace $0x80000047;
	s9 =	sshrl.u32 s7, $0x1;
	s4 =	sor.u32 s4, s8  }
0x9: {  	vm9 =	vmmov $0x3ff;
	vm10 =	vmmov $0x7ff;
	vm11 =	vmmov $0xfff;
	s7 =	ssub.s32 s7, s9;
	s8 =	sshrl.u32 s4, $0x3;
	s9 =	simm.s32 $0x400  }
0xa: {  	vm12 =	vmmov $0x1fff;
	vm13 =	vmmov $0x3fff;
	vm14 =	vmmov $0x7fff;
	s6 =	sadd.s32 s6, s8;
	s7 =	smax.u32 s7, $0x1;
	s8 =	simm.s32 $0x1  }
.LBB2_1:
0xb: {  	[tilespmem:s3], [sflag:$0x1] =	stream.linear.gather [hbm4b:s1+s3], $0x400, $0x38;
	[tilespmem:$0x4480] =	vst v63  }
0xc: {  	_ =	swait.ge [sflag:s8], $0x400  }
0xd: {  	[sflag:s8] =	ssyncset.done $0x0  }
0xe: {  	p1 =	por $0x1, $0x1;
	s12 =	simm.s32 $0x0;
	[sflag:s8] =	ssyncadd.s32 $0xFFFFFC00  }
.LBB2_2:
0xf: {  	s13 =	sor.u32 s4, s12  }
0x10: {  	s13 =	sshll.u32 s13, $0x7  }
0x11: {  	s14 =	simm.s32 $0x0;
	s13 =	sadd.s32 s13, s5  }
0x12: {  	[tilespmem:s9], [sflag:$0x1] =	stream.linear.gather [hbm4b:s13+s14], $0x4000, $0x38;
	[tilespmem:$0x4480] =	vst v63  }
0x13: {  	_ =	swait.ge [sflag:s8], $0x4000  }
0x14: {  	[sflag:s8] =	ssyncset.done $0x0  }
0x15: {  	s30 =	sand.u32 $0x70, s14;
	s15 =	sand.u32 $0x1C00, s14;
	[sflag:s8] =	ssyncadd.s32 $0xFFFFC000  }
0x16: {  	s16 =	sor.u32 s30, s15;
	v1 =	vld [tilespmem:s14+$0x0]  }
0x17: {  	v0 =	vld [tilespmem:s16+$0x2780]  }
0x18: {  	v2 =	vld [tilespmem:s16+$0x400]  }
0x19: {  	v3 =	vld [tilespmem:s16+$0x480]  }
0x1a: {  	v4 =	vld [tilespmem:s16+$0x500]  }
0x1b: {  	v15 =	vld [tilespmem:s16+$0x2400]  }
0x1c: {  	v16 =	vld [tilespmem:s16+$0x2480]  }
0x1d: {  	v5 =	vld [tilespmem:s16+$0x580]  }
0x1e: {  	v6 =	vld [tilespmem:s16+$0x600]  }
0x1f: {  	s31 =	sor.u32 s14, s14;
	v9 =	vld [tilespmem:s16+$0x700];
	v0 =	vmul.f32 v0, v1  }
0x20: {  	s13 =	sor.u32 $0x380, s31;
	v7 =	vld [tilespmem:s16+$0x680];
	v2 =	vmul.f32 v2, v1;
	v3 =	vmul.f32 v3, v1  }
0x21: {  	v8 =	vimm.f32 $0.0e+00;
	v10 =	vld [tilespmem:s13+$0x400];
	v23 =	vmul.f32 v15, v1;
	v22 =	vmul.f32 v16, v1  }
0x22: {  	v16 =	vimm.f32 $0.0e+00;
	v15 =	vimm.f32 $0.0e+00;
	v14 =	vadd.f32 v2, v8  }
0x23: {  	v2 =	vmul.f32 v4, v1;
	v12 =	vadd.f32 v3, v8;
	v3 =	vmul.f32 v5, v1  }
0x24: {  	v21 =	vld [tilespmem:s16+$0x2500];
	v0 =	vadd.f32 v0, v8;
	v4 =	vmul.f32 v6, v1;
	v5 =	vmul.f32 v9, v1  }
0x25: {  	v20 =	vld [tilespmem:s16+$0x2580];
	v6 =	vimm.f32 $0.0e+00;
	v13 =	vadd.f32 v2, v8;
	v2 =	vmul.f32 v7, v1  }
0x26: {  	p0 =	por p1, p1;
	v19 =	vld [tilespmem:s16+$0x2600];
	v11 =	vadd.f32 v3, v8;
	v9 =	vadd.f32 v4, v8;
	v3 =	vmul.f32 v10, v1  }
0x27: {  	s15 =	simm.s32 $0x20;
	s14 =	simm.s32 $0x10;
	v17 =	vld [tilespmem:s16+$0x2680];
	s13 =	simm.s32 $0x80;
	v5 =	vadd.f32 v5, v8;
	v10 =	vimm.f32 $0.0e+00;
	v7 =	vadd.f32 v2, v8  }
0x28: {  	v18 =	vld [tilespmem:s16+$0x2700];
	s16 =	simm.s32 $0x10;
	s18 =	sand.u32 $0x70, s14;
	s19 =	sand.u32 $0x1C00, s13;
	v4 =	vadd.f32 v3, v8;
	v3 =	vimm.f32 $0.0e+00;
	v2 =	vimm.f32 $0.0e+00  }
.LBB2_3:
0x29: {  	p1 =	sne.s32 s15, $0x3F0;
	v24 =	vld [tilespmem:s14+$0x0];
	s17 =	sor.u32 s18, s19;
	s16 =	sor.u32 s13, s16;
	v8 =	vadd.f32 v23, v8;
	v21 =	vmul.f32 v21, v1  }
0x2a: {  	s18 =	sor.u32 $0x380, s16;
	v23 =	vld [tilespmem:s17+$0x2780];
	v16 =	vadd.f32 v22, v16;
	v20 =	vmul.f32 v20, v1;
	s16 =	smov.u32 s15  }
0x2b: {  	v22 =	vld [tilespmem:s17+$0x400];
	v15 =	vadd.f32 v21, v15;
	v19 =	vmul.f32 v19, v1  }
0x2c: {  	v21 =	vld [tilespmem:s17+$0x480];
	v10 =	vadd.f32 v20, v10;
	v17 =	vmul.f32 v17, v1  }
0x2d: {  	v20 =	vld [tilespmem:s17+$0x500];
	v6 =	vadd.f32 v19, v6;
	v18 =	vmul.f32 v18, v1  }
0x2e: {  	v19 =	vld [tilespmem:s17+$0x580];
	v3 =	vadd.f32 v17, v3;
	v1 =	vmov v24  }
0x2f: {  	v17 =	vld [tilespmem:s17+$0x600];
	v23 =	vmul.f32 v23, v1;
	v2 =	vadd.f32 v18, v2  }
0x30: {  	v18 =	vmul.f32 v22, v1;
	v22 =	vld [tilespmem:s17+$0x680]  }
0x31: {  	v21 =	vmul.f32 v21, v1;
	v24 =	vld [tilespmem:s17+$0x700];
	v0 =	vadd.f32 v23, v0  }
0x32: {  	v14 =	vadd.f32 v18, v14;
	v18 =	vmul.f32 v20, v1;
	v23 =	vld [tilespmem:s18+$0x400]  }
0x33: {  	v12 =	vadd.f32 v21, v12;
	v19 =	vmul.f32 v19, v1;
	v25 =	vld [tilespmem:s17+$0x2400]  }
0x34: {  	v13 =	vadd.f32 v18, v13;
	v17 =	vmul.f32 v17, v1;
	v18 =	vld [tilespmem:s17+$0x2480]  }
.Ltmp0:
0x35: {  	v11 =	vadd.f32 v19, v11;
	v19 =	vmul.f32 v22, v1;
	v21 =	vld [tilespmem:s17+$0x2500];
	(pc) =	sbr.rel @p1 .LBB2_3-.Ltmp0, $4  }
0x36: {  	v9 =	vadd.f32 v17, v9;
	v17 =	vmul.f32 v24, v1;
	v20 =	vld [tilespmem:s17+$0x2580]  }
0x37: {  	v7 =	vadd.f32 v19, v7;
	v22 =	vmul.f32 v23, v1;
	v19 =	vld [tilespmem:s17+$0x2600]  }
0x38: {  	s13 =	sadd.s32 $0x80, s13;
	s14 =	sadd.s32 $0x10, s14;
	v5 =	vadd.f32 v17, v5;
	v23 =	vmul.f32 v25, v1;
	v17 =	vld [tilespmem:s17+$0x2680]  }
0x39: {  	s19 =	sand.u32 $0x1C00, s13;
	s15 =	sadd.s32 $0x10, s15;
	s18 =	sand.u32 $0x70, s16;
	v4 =	vadd.f32 v22, v4;
	v22 =	vmul.f32 v18, v1;
	v18 =	vld [tilespmem:s17+$0x2700]  }
0x3a: {  	v24 =	vld [tilespmem:s14+$0x0];
	s31 =	sor.u32 s18, s19  }
0x3b: {  	v25 =	vld [tilespmem:s31+$0x400]  }
0x3c: {  	v26 =	vld [tilespmem:s31+$0x480]  }
0x3d: {  	v27 =	vld [tilespmem:s31+$0x500]  }
0x3e: {  	v28 =	vld [tilespmem:s31+$0x580]  }
0x3f: {  	v29 =	vld [tilespmem:s31+$0x600]  }
0x40: {  	s13 =	sor.u32 s13, s16;
	v30 =	vld [tilespmem:s31+$0x680];
	v25 =	vmul.f32 v25, v24  }
0x41: {  	s13 =	sor.u32 $0x380, s13;
	v31 =	vld [tilespmem:s31+$0x700];
	v26 =	vmul.f32 v26, v24  }
0x42: {  	v48 =	vld [tilespmem:s13+$0x400];
	v47 =	vmul.f32 v27, v24;
	v14 =	vadd.f32 v25, v14  }
0x43: {  	v8 =	vadd.f32 v23, v8;
	v50 =	vld [tilespmem:s31+$0x2400];
	v49 =	vmul.f32 v28, v24;
	v12 =	vadd.f32 v26, v12  }
0x44: {  	v21 =	vmul.f32 v21, v1;
	v52 =	vld [tilespmem:s31+$0x2480];
	v51 =	vmul.f32 v29, v24;
	v13 =	vadd.f32 v47, v13;
	(xrf2) =	vadd.scan.msk.f32 $0xffff, v14  }
0x45: {  	v16 =	vadd.f32 v22, v16;
	v54 =	vld [tilespmem:s31+$0x2500];
	v53 =	vmul.f32 v30, v24;
	v11 =	vadd.f32 v49, v11;
	(xrf2) =	vadd.scan.msk.f32 $0xffff, v12  }
0x46: {  	v56 =	vld [tilespmem:s31+$0x2580];
	v20 =	vmul.f32 v20, v1;
	v55 =	vmul.f32 v31, v24;
	v9 =	vadd.f32 v51, v9;
	(xrf2) =	vadd.scan.msk.f32 $0xffff, v13  }
0x47: {  	v58 =	vld [tilespmem:s31+$0x2600];
	v15 =	vadd.f32 v21, v15;
	v57 =	vmul.f32 v48, v24;
	v7 =	vadd.f32 v53, v7;
	(xrf2) =	vadd.scan.msk.f32 $0xffff, v11  }
0x48: {  	v60 =	vld [tilespmem:s31+$0x2680];
	v19 =	vmul.f32 v19, v1;
	v59 =	vmul.f32 v50, v24;
	v5 =	vadd.f32 v55, v5;
	(xrf2) =	vadd.scan.msk.f32 $0xffff, v9  }
0x49: {  	v63 =	vld [tilespmem:s31+$0x2700];
	v61 =	vadd.f32 v20, v10;
	v62 =	vmul.f32 v52, v24;
	v4 =	vadd.f32 v57, v4;
	(xrf2) =	vadd.scan.msk.f32 $0xffff, v7  }
0x4a: {  	v20 =	vmul.f32 v17, v1;
	v8 =	vadd.f32 v59, v8;
	v12 =	vmul.f32 v54, v24;
	(xrf2) =	vadd.scan.msk.f32 $0xffff, v5  }
0x4b: {  	v21 =	vadd.f32 v19, v6;
	v22 =	vadd.f32 v62, v16;
	v25 =	vmul.f32 v56, v24;
	(xrf2) =	vadd.scan.msk.f32 $0xffff, v4  }
0x4c: {  	v27 =	vmul.f32 v18, v1;
	v26 =	vld [tilespmem:s31+$0x2780];
	v12 =	vadd.f32 v12, v15;
	v11 =	vmul.f32 v58, v24;
	(xrf2) =	vadd.scan.msk.f32 $0xffff, v8  }
0x4d: {  	v3 =	vadd.f32 v20, v3;
	v29 =	vmul.f32 v60, v24;
	v28 =	vadd.f32 v25, v61;
	(xrf2) =	vadd.scan.msk.f32 $0xffff, v22  }
0x4e: {  	v31 =	vmul.f32 v63, v24;
	v1 =	vadd.f32 v27, v2;
	v30 =	vadd.f32 v11, v21;
	v32, _, _ =	vpop (xrf2);
	(xrf2) =	vadd.scan.msk.f32 $0xffff, v12  }
0x4f: {  	v3 =	vadd.f32 v29, v3;
	v33, _, _ =	vpop (xrf2);
	(xrf2) =	vadd.scan.msk.f32 $0xffff, v28  }
0x50: {  	v1 =	vadd.f32 v31, v1;
	v34 =	vbroadcast v32, $0xF;
	v35 =	vbroadcast v33, $0xF;
	v36, _, _ =	vpop (xrf2);
	(xrf2) =	vadd.scan.msk.f32 $0xffff, v30  }
0x51: {  	v37 =	vmul.f32 v26, v24;
	v38 =	vbroadcast v36, $0xF;
	v39, _, _ =	vpop (xrf2);
	(xrf2) =	vadd.scan.msk.f32 $0xffff, v3  }
0x52: {  	v40 =	vsel vm0, v34, v35;
	v41 =	vbroadcast v39, $0xF;
	v42, _, _ =	vpop (xrf2);
	(xrf2) =	vadd.scan.msk.f32 $0xffff, v1  }
0x53: {  	v0 =	vadd.f32 v37, v0;
	v43, _, _ =	vpop (xrf2);
	v44 =	vsel vm1, v40, v38;
	v45 =	vbroadcast v42, $0xF  }
0x54: {  	v46, _, _ =	vpop (xrf2);
	v2 =	vsel vm2, v44, v41;
	v1 =	vbroadcast v43, $0xF  }
0x55: {  	(xrf2) =	vadd.scan.msk.f32 $0xffff, v0;
	v2 =	vsel vm3, v2, v45;
	v47 =	vbroadcast v46, $0xF;
	v48, _, _ =	vpop (xrf2)  }
0x56: {  	v49, _, _ =	vpop (xrf2);
	v1 =	vsel vm4, v2, v1;
	v50 =	vbroadcast v48, $0xF  }
0x57: {  	v51, _, _ =	vpop (xrf2);
	v1 =	vsel vm5, v1, v47;
	v0 =	vbroadcast v49, $0xF  }
0x58: {  	v52, _, _ =	vpop (xrf2);
	v1 =	vsel vm6, v1, v50;
	v53 =	vbroadcast v51, $0xF  }
0x59: {  	v54, _, _ =	vpop (xrf2);
	v0 =	vsel vm7, v1, v0;
	v55 =	vbroadcast v52, $0xF  }
0x5a: {  	v56, _, _ =	vpop (xrf2);
	v0 =	vsel vm8, v0, v53;
	v57 =	vbroadcast v54, $0xF  }
0x5b: {  	v58, _, _ =	vpop (xrf2);
	v0 =	vsel vm9, v0, v55;
	v59 =	vbroadcast v56, $0xF  }
0x5c: {  	v60, _, _ =	vpop (xrf2);
	v0 =	vsel vm10, v0, v57;
	v61 =	vbroadcast v58, $0xF  }
.Ltmp1:
0x5d: {  	v0 =	vsel vm11, v0, v59;
	v62 =	vbroadcast v60, $0xF;
	(pc) =	sbr.rel @p0 .LBB2_2-.Ltmp1, $4  }
0x5e: {  	v0 =	vsel vm12, v0, v61  }
0x5f: {  	v63, _, _ =	vpop (xrf2);
	v0 =	vsel vm13, v0, v62  }
0x60: {  	v0 =	vsel vm14, v0, v63  }
0x61: {  	p1 =	por $0x0, $0x0;
	[tilespmem:s12+$0x4400] =	vst v0;
	s12 =	simm.s32 $0x10  }
0x62: {  	s11 =	sadd.s32 $0x1, s11  }
0x63: {  	p0 =	sne.s32 s11, s7  }
.Ltmp2:
0x64: {  	_ = 	snop;
	(pc) =	sbr.rel @p0 .LBB2_1-.Ltmp2, $4  }
0x65: {  	[hbm4b:s6+s3] =	stream.linear.scatter [tilespmem:s10], [sflag:$0x1], $0x20, $0x38;
	[tilespmem:$0x4480] =	vst v63  }
0x66: {  	_ =	swait.ge [sflag:s8], $0x20  }
0x67: {  	[sflag:s8] =	ssyncset.done $0x0  }
0x68: {  	[sflag:s8] =	ssyncadd.s32 $0xFFFFFFE0  }
0x69: {  	_ =	sfence.sel $0x180000  }
0x6a: {  	[bflag:$0x0] =	sbarrier.arrive $0xFFFF  }
0x6b: {  	p0 =	sne.s32 s2, $0x0;
	_ =	strace $0x90000047  }
0x6c: {  	s0 =	sadd.s32 @!p0 $0x100000, s0;
	[bflag:$0x2] =	sbarrier.arrive $0xFFFF  }
0x6d: {  	[sflag:s0] =	ssyncadd.tile.s32 @!p0 $0x1;
	_ =	shalt  }
.Lfunc_end2:
_tile_overlayer_lowered:
.L_overlay_start_2:
0x6e: {  	(tag) =	ssettag $0x2  }
0x6f: {  	s0 =	rddreg [dreg:$0x0];
	s2 =	stileid.u32  }
0x70: {  	s1 =	rddreg [dreg:$0x1];
	p0 =	sne.s32 s2, $0x0  }
0x71: {  	s3 =	rddreg [dreg:$0x2];
	[bflag:$0x3] =	sbarrier.arrive $0xFFFF;
	s2 =	simm.s32 @!p0 $0x1C01  }
0x72: {  	[timem:s3], [sflag:s2] =	dma.local @!p0 [hbm:s0], s1  }
0x73: {  	s0 =	simm.s32 @!p0 $0x1  }
0x74: {  	_ =	swait.ge @!p0 [sflag:s0], s1  }
0x75: {  	s1 =	ssub.s32 @!p0 $0x0, s1;
	[sflag:s0] =	ssyncset.done @!p0 $0x0  }
0x76: {  	[sflag:s0] =	ssyncadd.s32 @!p0 s1  }
0x77: {  	[bflag:$0x3] =	sbarrier.arrive $0xFFFF  }
0x78: {  	_ =	shalt  }

</sc_bundles>
